<compile_context>
chip_gen: v7x
topology: tpu7x:2x2x1
jax: 0.10.2.dev20260603
libtpu: 0.0.44.dev20260713+nightly
codegen_flags: <defaults>
</compile_context>

<pallas_src>
import functools

import jax
import jax.numpy as jnp
from jax import lax
from jax.experimental import pallas as pl
from jax.experimental.pallas import tpu as pltpu
from jax.experimental.pallas import tpu_sc as plsc

B = 16384
D = 128
NC = 2
NS = 16
L = 16
NW = NC * NS
BPW = B // NW
CH = 128
NCH = BPW // CH
UD = 16
NACC = 4


def _sc_body(idx_hbm, ent_hbm, path_hbm, out_hbm,
             idx_v, pos_b, neg_b, path_b, out_v, s0, s1, s2):
    w = lax.axis_index("s") * NC + lax.axis_index("c")
    base = w * BPW
    pltpu.sync_copy(idx_hbm.at[w], idx_v)

    def issue(c, slot):
        pltpu.async_copy(ent_hbm.at[idx_v.at[1, c]], pos_b.at[slot], s0.at[slot])
        pltpu.async_copy(ent_hbm.at[idx_v.at[2, c]], neg_b.at[slot], s1.at[slot])
        pltpu.async_copy(path_hbm.at[idx_v.at[0, c]], path_b.at[slot], s2.at[slot])

    issue(0, 0)
    issue(1, 1)
    lane = lax.iota(jnp.int32, L)

    def chunk_body(c, _):
        slot = c & 1
        slot_sp = jnp.full((L,), 0, jnp.int32) + slot
        pltpu.make_async_copy(ent_hbm.at[idx_v.at[1, c]], pos_b.at[slot], s0.at[slot]).wait()
        pltpu.make_async_copy(ent_hbm.at[idx_v.at[2, c]], neg_b.at[slot], s1.at[slot]).wait()
        pltpu.make_async_copy(path_hbm.at[idx_v.at[0, c]], path_b.at[slot], s2.at[slot]).wait()

        def group_body(g, _):
            rows = lane + g * L

            def block_body(bb, accs):
                d0 = bb * UD
                accs = list(accs)
                for k in range(UD):
                    dsp = (lane + (d0 + k)) & (D - 1)
                    p = plsc.load_gather(pos_b, [slot_sp, rows, dsp])
                    n = plsc.load_gather(neg_b, [slot_sp, rows, dsp])
                    t = plsc.load_gather(path_b, [slot_sp, rows, dsp])
                    accs[k % NACC] = accs[k % NACC] + (p - n) * t
                return tuple(accs)

            zero = jnp.zeros((L,), jnp.float32)
            accs = lax.fori_loop(0, D // UD, block_body, (zero,) * NACC)
            acc = (accs[0] + accs[1]) + (accs[2] + accs[3])
            out_v[pl.ds(c * CH + g * L, L)] = acc
            return 0

        lax.fori_loop(0, CH // L, group_body, 0)

        @pl.when(c < NCH - 2)
        def _():
            issue(c + 2, slot)

        return 0

    lax.fori_loop(0, NCH, chunk_body, 0)

    pltpu.sync_copy(out_v, out_hbm.at[pl.ds(base, BPW)])


@functools.partial(
    pl.kernel,
    out_type=jax.ShapeDtypeStruct((B,), jnp.float32),
    mesh=plsc.VectorSubcoreMesh(core_axis_name="c", subcore_axis_name="s"),
    compiler_params=pltpu.CompilerParams(
        needs_layout_passes=False, disable_bounds_checks=True,
        disable_semaphore_checks=True),
    scratch_types=[
        pltpu.VMEM((3, NCH, CH), jnp.int32),
        pltpu.VMEM((2, CH, D), jnp.float32),
        pltpu.VMEM((2, CH, D), jnp.float32),
        pltpu.VMEM((2, CH, D), jnp.float32),
        pltpu.VMEM((BPW,), jnp.float32),
        pltpu.SemaphoreType.DMA((2,)),
        pltpu.SemaphoreType.DMA((2,)),
        pltpu.SemaphoreType.DMA((2,)),
    ],
)
def _uni_model_sc(idx_hbm, ent_hbm, path_hbm, out_hbm, *rest):
    _sc_body(idx_hbm, ent_hbm, path_hbm, out_hbm, *rest)


@jax.jit
def kernel(ents_path_idxs, ent_table, path_table):
    idxs = (ents_path_idxs.astype(jnp.int32)
            .reshape(NW, BPW, 3).transpose(0, 2, 1).reshape(NW, 3, NCH, CH))
    return _uni_model_sc(idxs, ent_table, path_table).reshape(B, 1, 1)

# --- scband reference (transcript-rebuilt; emitter-appended) ---
"""Pipeline reference for scband-uni-model-7060926234893 (READ-ONLY COPY).

The authoritative reference and input builder live on the scoring server;
editing this copy changes nothing except your own understanding.
"""

import jax, jax.numpy as jnp
import numpy as np

ENT_SIZE = 100000
PATH_SIZE = 100000
EMBED_SIZE = 128
BATCH = 16384

def setup_inputs(seed: int = 0) -> dict:
    key = jax.random.key(seed)
    k1, k2, k3 = jax.random.split(key, 3)
    ents_path_idxs = jax.random.randint(k1, (BATCH, 3), 0, min(ENT_SIZE, PATH_SIZE), dtype=jnp.int64 if jax.config.read('jax_enable_x64') else jnp.int32)
    ent_table = jax.random.normal(k2, (ENT_SIZE, EMBED_SIZE), dtype=jnp.float32) * 0.1
    path_table = jax.random.normal(k3, (PATH_SIZE, EMBED_SIZE), dtype=jnp.float32) * 0.1
    return {"ents_path_idxs": ents_path_idxs, "ent_table": ent_table, "path_table": path_table}

def reference(ents_path_idxs, ent_table, path_table):
    pos_idxs = ents_path_idxs[:, 1]
    neg_idxs = ents_path_idxs[:, 2]
    path_idxs = ents_path_idxs[:, 0]
    ent0_vecs = jnp.take(ent_table, pos_idxs, axis=0)   # [B, D]
    ent1_vecs = jnp.take(ent_table, neg_idxs, axis=0)   # [B, D]
    path_vecs = jnp.take(path_table, path_idxs, axis=0) # [B, D]
    pos_vecs = ent0_vecs.reshape(-1, 1, EMBED_SIZE)
    neg_vecs = ent1_vecs.reshape(-1, 1, EMBED_SIZE)
    path_col = path_vecs.reshape(-1, EMBED_SIZE, 1)
    positive_predictions = jnp.matmul(pos_vecs, path_col)  # [B, 1, 1]
    negative_predictions = jnp.matmul(neg_vecs, path_col)  # [B, 1, 1]
    diff = positive_predictions - negative_predictions
    return diff

if __name__ == "__main__":
    import jax
    _d = setup_inputs()
    print(jax.jit(kernel)(*tuple(_d.values())))

</pallas_src>

<mosaic_0001>
#map = affine_map<(d0, d1) -> (0, 0, 0, 0)>
#map1 = affine_map<(d0, d1) -> (0, 0)>
#map2 = affine_map<(d0, d1) -> (0)>
module attributes {stable_mosaic.version = 14 : i64} {
  func.func @_uni_model_sc(%arg0: i32, %arg1: i32, %arg2: memref<32x3x4x128xi32, #tpu.memory_space<hbm>>, %arg3: memref<100000x128xf32, #tpu.memory_space<hbm>>, %arg4: memref<100000x128xf32, #tpu.memory_space<hbm>>, %arg5: memref<16384xf32, #tpu.memory_space<hbm>>, %arg6: memref<3x4x128xi32, #tpu.memory_space<vmem>>, %arg7: memref<2x128x128xf32, #tpu.memory_space<vmem>>, %arg8: memref<2x128x128xf32, #tpu.memory_space<vmem>>, %arg9: memref<2x128x128xf32, #tpu.memory_space<vmem>>, %arg10: memref<512xf32, #tpu.memory_space<vmem>>, %arg11: memref<2x!tpu.dma_semaphore, #tpu.memory_space<semaphore_mem>>, %arg12: memref<2x!tpu.dma_semaphore, #tpu.memory_space<semaphore_mem>>, %arg13: memref<2x!tpu.dma_semaphore, #tpu.memory_space<semaphore_mem>>) attributes {dimension_semantics = [#tpu.dimension_semantics<core_parallel>, #tpu.dimension_semantics<subcore_parallel>], iteration_bounds = array<i64: 2, 16>, scalar_prefetch = 0 : i64, scratch_operands = 8 : i64, tpu.core_type = #tpu.core_type<sc_vector_subcore>, window_params = [{transform_indices = #map}, {transform_indices = #map1}, {transform_indices = #map1}, {transform_indices = #map2}]} {
    %mul3A = arith.constant 2 : i32
    %mul3A_0 = arith.muli %arg1, %mul3A : i32
    %add3A = arith.addi %mul3A_0, %arg0 : i32
    %mul3A_1 = arith.constant 512 : i32
    %mul3A_2 = arith.muli %add3A, %mul3A_1 : i32
    "tpu.region"() ({
      %run_scoped3A = tpu.sem_alloc : memref<!tpu.dma_semaphore, #tpu.memory_space<semaphore_mem>>
      %dma_start3A_104 = arith.constant 0 : i32
      %dma_start3A_105 = arith.constant 0 : i32
      %dma_start3A_106 = arith.constant 0 : i32
      %dma_start3A_107 = tpu.memref_slice %arg2[%add3A, %dma_start3A_104, %dma_start3A_105, %dma_start3A_106] : memref<32x3x4x128xi32, #tpu.memory_space<hbm>> -> memref<1x3x4x128xi32, #tpu.memory_space<hbm>>
      %dma_start3A_108 = tpu.memref_squeeze %dma_start3A_107 : memref<1x3x4x128xi32, #tpu.memory_space<hbm>> -> memref<3x4x128xi32, #tpu.memory_space<hbm>>
      %dma_start3A_109 = arith.constant 0 : i32
      %dma_start3A_110 = arith.constant 0 : i32
      %dma_start3A_111 = arith.constant 0 : i32
      %dma_start3A_112 = tpu.memref_slice %arg2[%add3A, %dma_start3A_109, %dma_start3A_110, %dma_start3A_111] : memref<32x3x4x128xi32, #tpu.memory_space<hbm>> -> memref<1x3x4x128xi32, #tpu.memory_space<hbm>>
      %dma_start3A_113 = tpu.memref_squeeze %dma_start3A_112 : memref<1x3x4x128xi32, #tpu.memory_space<hbm>> -> memref<3x4x128xi32, #tpu.memory_space<hbm>>
      tpu.enqueue_dma source(%dma_start3A_113 : memref<3x4x128xi32, #tpu.memory_space<hbm>>) target(%arg6 : memref<3x4x128xi32, #tpu.memory_space<vmem>>) target_semaphore(%run_scoped3A : memref<!tpu.dma_semaphore, #tpu.memory_space<semaphore_mem>>)
      %dma_wait3A = arith.constant 0 : i32
      %dma_wait3A_114 = arith.constant 0 : i32
      %dma_wait3A_115 = arith.constant 0 : i32
      %dma_wait3A_116 = tpu.memref_slice %arg2[%add3A, %dma_wait3A, %dma_wait3A_114, %dma_wait3A_115] : memref<32x3x4x128xi32, #tpu.memory_space<hbm>> -> memref<1x3x4x128xi32, #tpu.memory_space<hbm>>
      %dma_wait3A_117 = tpu.memref_squeeze %dma_wait3A_116 : memref<1x3x4x128xi32, #tpu.memory_space<hbm>> -> memref<3x4x128xi32, #tpu.memory_space<hbm>>
      %dma_wait3A_118 = arith.constant 0 : i32
      %dma_wait3A_119 = arith.constant 0 : i32
      %dma_wait3A_120 = arith.constant 0 : i32
      %dma_wait3A_121 = tpu.memref_slice %arg2[%add3A, %dma_wait3A_118, %dma_wait3A_119, %dma_wait3A_120] : memref<32x3x4x128xi32, #tpu.memory_space<hbm>> -> memref<1x3x4x128xi32, #tpu.memory_space<hbm>>
      %dma_wait3A_122 = tpu.memref_squeeze %dma_wait3A_121 : memref<1x3x4x128xi32, #tpu.memory_space<hbm>> -> memref<3x4x128xi32, #tpu.memory_space<hbm>>
      tpu.wait_dma2 semaphore(%run_scoped3A : memref<!tpu.dma_semaphore, #tpu.memory_space<semaphore_mem>>) src(%dma_wait3A_122 : memref<3x4x128xi32, #tpu.memory_space<hbm>>) dst(%arg6 : memref<3x4x128xi32, #tpu.memory_space<vmem>>)
      tpu.yield
    }) : () -> ()
    %dma_start3A = arith.constant 1 : i32
    %dma_start3A_3 = arith.constant 0 : i32
    %dma_start3A_4 = arith.constant 0 : i32
    %dma_start3A_5 = arith.constant 0 : i32
    %dma_start3A_6 = arith.constant 0 : i32
    %dma_start3A_7 = arith.constant 0 : i32
    %dma_start3A_8 = tpu.memref_slice %arg7[%dma_start3A_4, %dma_start3A_6, %dma_start3A_7] : memref<2x128x128xf32, #tpu.memory_space<vmem>> -> memref<1x128x128xf32, #tpu.memory_space<vmem>>
    %dma_start3A_9 = tpu.memref_squeeze %dma_start3A_8 : memref<1x128x128xf32, #tpu.memory_space<vmem>> -> memref<128x128xf32, #tpu.memory_space<vmem>>
    %dma_start3A_10 = arith.constant 0 : i32
    %dma_start3A_11 = tpu.memref_slice %arg6[%dma_start3A, %dma_start3A_3, %dma_start3A_10] : memref<3x4x128xi32, #tpu.memory_space<vmem>> -> memref<1x1x128xi32, #tpu.memory_space<vmem>>
    %dma_start3A_12 = tpu.memref_squeeze %dma_start3A_11 : memref<1x1x128xi32, #tpu.memory_space<vmem>> -> memref<128xi32, #tpu.memory_space<vmem>>
    %dma_start3A_13 = arith.constant 0 : i32
    %dma_start3A_14 = arith.constant 0 : i32
    %dma_start3A_15 = tpu.memref_slice %arg3[%dma_start3A_13, %dma_start3A_14] : memref<100000x128xf32, #tpu.memory_space<hbm>> -> memref<100000x128xf32, #tpu.memory_space<hbm>>
    %dma_start3A_16 = tpu.memref_slice %arg11[%dma_start3A_5] : memref<2x!tpu.dma_semaphore, #tpu.memory_space<semaphore_mem>> -> memref<1x!tpu.dma_semaphore, #tpu.memory_space<semaphore_mem>>
    %dma_start3A_17 = tpu.memref_squeeze %dma_start3A_16 : memref<1x!tpu.dma_semaphore, #tpu.memory_space<semaphore_mem>> -> memref<!tpu.dma_semaphore, #tpu.memory_space<semaphore_mem>>
    tpu.enqueue_indirect_dma source(%dma_start3A_15 : memref<100000x128xf32, #tpu.memory_space<hbm>>) target(%dma_start3A_9 : memref<128x128xf32, #tpu.memory_space<vmem>>) offsets(%dma_start3A_12 : memref<128xi32, #tpu.memory_space<vmem>>) semaphore(%dma_start3A_17 : memref<!tpu.dma_semaphore, #tpu.memory_space<semaphore_mem>>)
    %dma_start3A_18 = arith.constant 2 : i32
    %dma_start3A_19 = arith.constant 0 : i32
    %dma_start3A_20 = arith.constant 0 : i32
    %dma_start3A_21 = arith.constant 0 : i32
    %dma_start3A_22 = arith.constant 0 : i32
    %dma_start3A_23 = arith.constant 0 : i32
    %dma_start3A_24 = tpu.memref_slice %arg8[%dma_start3A_20, %dma_start3A_22, %dma_start3A_23] : memref<2x128x128xf32, #tpu.memory_space<vmem>> -> memref<1x128x128xf32, #tpu.memory_space<vmem>>
    %dma_start3A_25 = tpu.memref_squeeze %dma_start3A_24 : memref<1x128x128xf32, #tpu.memory_space<vmem>> -> memref<128x128xf32, #tpu.memory_space<vmem>>
    %dma_start3A_26 = arith.constant 0 : i32
    %dma_start3A_27 = tpu.memref_slice %arg6[%dma_start3A_18, %dma_start3A_19, %dma_start3A_26] : memref<3x4x128xi32, #tpu.memory_space<vmem>> -> memref<1x1x128xi32, #tpu.memory_space<vmem>>
    %dma_start3A_28 = tpu.memref_squeeze %dma_start3A_27 : memref<1x1x128xi32, #tpu.memory_space<vmem>> -> memref<128xi32, #tpu.memory_space<vmem>>
    %dma_start3A_29 = arith.constant 0 : i32
    %dma_start3A_30 = arith.constant 0 : i32
    %dma_start3A_31 = tpu.memref_slice %arg3[%dma_start3A_29, %dma_start3A_30] : memref<100000x128xf32, #tpu.memory_space<hbm>> -> memref<100000x128xf32, #tpu.memory_space<hbm>>
    %dma_start3A_32 = tpu.memref_slice %arg12[%dma_start3A_21] : memref<2x!tpu.dma_semaphore, #tpu.memory_space<semaphore_mem>> -> memref<1x!tpu.dma_semaphore, #tpu.memory_space<semaphore_mem>>
    %dma_start3A_33 = tpu.memref_squeeze %dma_start3A_32 : memref<1x!tpu.dma_semaphore, #tpu.memory_space<semaphore_mem>> -> memref<!tpu.dma_semaphore, #tpu.memory_space<semaphore_mem>>
    tpu.enqueue_indirect_dma source(%dma_start3A_31 : memref<100000x128xf32, #tpu.memory_space<hbm>>) target(%dma_start3A_25 : memref<128x128xf32, #tpu.memory_space<vmem>>) offsets(%dma_start3A_28 : memref<128xi32, #tpu.memory_space<vmem>>) semaphore(%dma_start3A_33 : memref<!tpu.dma_semaphore, #tpu.memory_space<semaphore_mem>>)
    %dma_start3A_34 = arith.constant 0 : i32
    %dma_start3A_35 = arith.constant 0 : i32
    %dma_start3A_36 = arith.constant 0 : i32
    %dma_start3A_37 = arith.constant 0 : i32
    %dma_start3A_38 = arith.constant 0 : i32
    %dma_start3A_39 = arith.constant 0 : i32
    %dma_start3A_40 = tpu.memref_slice %arg9[%dma_start3A_36, %dma_start3A_38, %dma_start3A_39] : memref<2x128x128xf32, #tpu.memory_space<vmem>> -> memref<1x128x128xf32, #tpu.memory_space<vmem>>
    %dma_start3A_41 = tpu.memref_squeeze %dma_start3A_40 : memref<1x128x128xf32, #tpu.memory_space<vmem>> -> memref<128x128xf32, #tpu.memory_space<vmem>>
    %dma_start3A_42 = arith.constant 0 : i32
    %dma_start3A_43 = tpu.memref_slice %arg6[%dma_start3A_34, %dma_start3A_35, %dma_start3A_42] : memref<3x4x128xi32, #tpu.memory_space<vmem>> -> memref<1x1x128xi32, #tpu.memory_space<vmem>>
    %dma_start3A_44 = tpu.memref_squeeze %dma_start3A_43 : memref<1x1x128xi32, #tpu.memory_space<vmem>> -> memref<128xi32, #tpu.memory_space<vmem>>
    %dma_start3A_45 = arith.constant 0 : i32
    %dma_start3A_46 = arith.constant 0 : i32
    %dma_start3A_47 = tpu.memref_slice %arg4[%dma_start3A_45, %dma_start3A_46] : memref<100000x128xf32, #tpu.memory_space<hbm>> -> memref<100000x128xf32, #tpu.memory_space<hbm>>
    %dma_start3A_48 = tpu.memref_slice %arg13[%dma_start3A_37] : memref<2x!tpu.dma_semaphore, #tpu.memory_space<semaphore_mem>> -> memref<1x!tpu.dma_semaphore, #tpu.memory_space<semaphore_mem>>
    %dma_start3A_49 = tpu.memref_squeeze %dma_start3A_48 : memref<1x!tpu.dma_semaphore, #tpu.memory_space<semaphore_mem>> -> memref<!tpu.dma_semaphore, #tpu.memory_space<semaphore_mem>>
    tpu.enqueue_indirect_dma source(%dma_start3A_47 : memref<100000x128xf32, #tpu.memory_space<hbm>>) target(%dma_start3A_41 : memref<128x128xf32, #tpu.memory_space<vmem>>) offsets(%dma_start3A_44 : memref<128xi32, #tpu.memory_space<vmem>>) semaphore(%dma_start3A_49 : memref<!tpu.dma_semaphore, #tpu.memory_space<semaphore_mem>>)
    %dma_start3A_50 = arith.constant 1 : i32
    %dma_start3A_51 = arith.constant 1 : i32
    %dma_start3A_52 = arith.constant 1 : i32
    %dma_start3A_53 = arith.constant 1 : i32
    %dma_start3A_54 = arith.constant 0 : i32
    %dma_start3A_55 = arith.constant 0 : i32
    %dma_start3A_56 = tpu.memref_slice %arg7[%dma_start3A_52, %dma_start3A_54, %dma_start3A_55] : memref<2x128x128xf32, #tpu.memory_space<vmem>> -> memref<1x128x128xf32, #tpu.memory_space<vmem>>
    %dma_start3A_57 = tpu.memref_squeeze %dma_start3A_56 : memref<1x128x128xf32, #tpu.memory_space<vmem>> -> memref<128x128xf32, #tpu.memory_space<vmem>>
    %dma_start3A_58 = arith.constant 0 : i32
    %dma_start3A_59 = tpu.memref_slice %arg6[%dma_start3A_50, %dma_start3A_51, %dma_start3A_58] : memref<3x4x128xi32, #tpu.memory_space<vmem>> -> memref<1x1x128xi32, #tpu.memory_space<vmem>>
    %dma_start3A_60 = tpu.memref_squeeze %dma_start3A_59 : memref<1x1x128xi32, #tpu.memory_space<vmem>> -> memref<128xi32, #tpu.memory_space<vmem>>
    %dma_start3A_61 = arith.constant 0 : i32
    %dma_start3A_62 = arith.constant 0 : i32
    %dma_start3A_63 = tpu.memref_slice %arg3[%dma_start3A_61, %dma_start3A_62] : memref<100000x128xf32, #tpu.memory_space<hbm>> -> memref<100000x128xf32, #tpu.memory_space<hbm>>
    %dma_start3A_64 = tpu.memref_slice %arg11[%dma_start3A_53] : memref<2x!tpu.dma_semaphore, #tpu.memory_space<semaphore_mem>> -> memref<1x!tpu.dma_semaphore, #tpu.memory_space<semaphore_mem>>
    %dma_start3A_65 = tpu.memref_squeeze %dma_start3A_64 : memref<1x!tpu.dma_semaphore, #tpu.memory_space<semaphore_mem>> -> memref<!tpu.dma_semaphore, #tpu.memory_space<semaphore_mem>>
    tpu.enqueue_indirect_dma source(%dma_start3A_63 : memref<100000x128xf32, #tpu.memory_space<hbm>>) target(%dma_start3A_57 : memref<128x128xf32, #tpu.memory_space<vmem>>) offsets(%dma_start3A_60 : memref<128xi32, #tpu.memory_space<vmem>>) semaphore(%dma_start3A_65 : memref<!tpu.dma_semaphore, #tpu.memory_space<semaphore_mem>>)
    %dma_start3A_66 = arith.constant 2 : i32
    %dma_start3A_67 = arith.constant 1 : i32
    %dma_start3A_68 = arith.constant 1 : i32
    %dma_start3A_69 = arith.constant 1 : i32
    %dma_start3A_70 = arith.constant 0 : i32
    %dma_start3A_71 = arith.constant 0 : i32
    %dma_start3A_72 = tpu.memref_slice %arg8[%dma_start3A_68, %dma_start3A_70, %dma_start3A_71] : memref<2x128x128xf32, #tpu.memory_space<vmem>> -> memref<1x128x128xf32, #tpu.memory_space<vmem>>
    %dma_start3A_73 = tpu.memref_squeeze %dma_start3A_72 : memref<1x128x128xf32, #tpu.memory_space<vmem>> -> memref<128x128xf32, #tpu.memory_space<vmem>>
    %dma_start3A_74 = arith.constant 0 : i32
    %dma_start3A_75 = tpu.memref_slice %arg6[%dma_start3A_66, %dma_start3A_67, %dma_start3A_74] : memref<3x4x128xi32, #tpu.memory_space<vmem>> -> memref<1x1x128xi32, #tpu.memory_space<vmem>>
    %dma_start3A_76 = tpu.memref_squeeze %dma_start3A_75 : memref<1x1x128xi32, #tpu.memory_space<vmem>> -> memref<128xi32, #tpu.memory_space<vmem>>
    %dma_start3A_77 = arith.constant 0 : i32
    %dma_start3A_78 = arith.constant 0 : i32
    %dma_start3A_79 = tpu.memref_slice %arg3[%dma_start3A_77, %dma_start3A_78] : memref<100000x128xf32, #tpu.memory_space<hbm>> -> memref<100000x128xf32, #tpu.memory_space<hbm>>
    %dma_start3A_80 = tpu.memref_slice %arg12[%dma_start3A_69] : memref<2x!tpu.dma_semaphore, #tpu.memory_space<semaphore_mem>> -> memref<1x!tpu.dma_semaphore, #tpu.memory_space<semaphore_mem>>
    %dma_start3A_81 = tpu.memref_squeeze %dma_start3A_80 : memref<1x!tpu.dma_semaphore, #tpu.memory_space<semaphore_mem>> -> memref<!tpu.dma_semaphore, #tpu.memory_space<semaphore_mem>>
    tpu.enqueue_indirect_dma source(%dma_start3A_79 : memref<100000x128xf32, #tpu.memory_space<hbm>>) target(%dma_start3A_73 : memref<128x128xf32, #tpu.memory_space<vmem>>) offsets(%dma_start3A_76 : memref<128xi32, #tpu.memory_space<vmem>>) semaphore(%dma_start3A_81 : memref<!tpu.dma_semaphore, #tpu.memory_space<semaphore_mem>>)
    %dma_start3A_82 = arith.constant 0 : i32
    %dma_start3A_83 = arith.constant 1 : i32
    %dma_start3A_84 = arith.constant 1 : i32
    %dma_start3A_85 = arith.constant 1 : i32
    %dma_start3A_86 = arith.constant 0 : i32
    %dma_start3A_87 = arith.constant 0 : i32
    %dma_start3A_88 = tpu.memref_slice %arg9[%dma_start3A_84, %dma_start3A_86, %dma_start3A_87] : memref<2x128x128xf32, #tpu.memory_space<vmem>> -> memref<1x128x128xf32, #tpu.memory_space<vmem>>
    %dma_start3A_89 = tpu.memref_squeeze %dma_start3A_88 : memref<1x128x128xf32, #tpu.memory_space<vmem>> -> memref<128x128xf32, #tpu.memory_space<vmem>>
    %dma_start3A_90 = arith.constant 0 : i32
    %dma_start3A_91 = tpu.memref_slice %arg6[%dma_start3A_82, %dma_start3A_83, %dma_start3A_90] : memref<3x4x128xi32, #tpu.memory_space<vmem>> -> memref<1x1x128xi32, #tpu.memory_space<vmem>>
    %dma_start3A_92 = tpu.memref_squeeze %dma_start3A_91 : memref<1x1x128xi32, #tpu.memory_space<vmem>> -> memref<128xi32, #tpu.memory_space<vmem>>
    %dma_start3A_93 = arith.constant 0 : i32
    %dma_start3A_94 = arith.constant 0 : i32
    %dma_start3A_95 = tpu.memref_slice %arg4[%dma_start3A_93, %dma_start3A_94] : memref<100000x128xf32, #tpu.memory_space<hbm>> -> memref<100000x128xf32, #tpu.memory_space<hbm>>
    %dma_start3A_96 = tpu.memref_slice %arg13[%dma_start3A_85] : memref<2x!tpu.dma_semaphore, #tpu.memory_space<semaphore_mem>> -> memref<1x!tpu.dma_semaphore, #tpu.memory_space<semaphore_mem>>
    %dma_start3A_97 = tpu.memref_squeeze %dma_start3A_96 : memref<1x!tpu.dma_semaphore, #tpu.memory_space<semaphore_mem>> -> memref<!tpu.dma_semaphore, #tpu.memory_space<semaphore_mem>>
    tpu.enqueue_indirect_dma source(%dma_start3A_95 : memref<100000x128xf32, #tpu.memory_space<hbm>>) target(%dma_start3A_89 : memref<128x128xf32, #tpu.memory_space<vmem>>) offsets(%dma_start3A_92 : memref<128xi32, #tpu.memory_space<vmem>>) semaphore(%dma_start3A_97 : memref<!tpu.dma_semaphore, #tpu.memory_space<semaphore_mem>>)
    %iota3A = tpu.iota {dimensions = array<i32: 0>} : vector<16xi32>
    %scan3A = arith.constant 0 : i32
    %scan3A_98 = arith.constant 0 : i32
    %scan3A_99 = arith.constant 4 : i32
    %scan3A_100 = arith.addi %scan3A_98, %scan3A_99 : i32
    %scan3A_101 = arith.constant 1 : i32
    %scan3A_102 = scf.for %scan3A_104 = %scan3A_98 to %scan3A_100 step %scan3A_101 iter_args(%scan3A_105 = %scan3A) -> (i32)  : i32 {
      %and3A = arith.constant 1 : i32
      %and3A_106 = arith.andi %scan3A_104, %and3A : i32
      %broadcast_in_dim3A = arith.constant 0 : i32
      %broadcast_in_dim3A_107 = vector.broadcast %broadcast_in_dim3A : i32 to vector<16xi32>
      %add3A_108 = vector.broadcast %and3A_106 : i32 to vector<16xi32>
      %add3A_109 = arith.addi %broadcast_in_dim3A_107, %add3A_108 : vector<16xi32>
      %dma_wait3A = arith.constant 1 : i32
      %dma_wait3A_110 = arith.constant 0 : i32
      %dma_wait3A_111 = arith.constant 0 : i32
      %dma_wait3A_112 = tpu.memref_slice %arg7[%and3A_106, %dma_wait3A_110, %dma_wait3A_111] : memref<2x128x128xf32, #tpu.memory_space<vmem>> -> memref<1x128x128xf32, #tpu.memory_space<vmem>>
      %dma_wait3A_113 = tpu.memref_squeeze %dma_wait3A_112 : memref<1x128x128xf32, #tpu.memory_space<vmem>> -> memref<128x128xf32, #tpu.memory_space<vmem>>
      %dma_wait3A_114 = arith.constant 0 : i32
      %dma_wait3A_115 = tpu.memref_slice %arg6[%dma_wait3A, %scan3A_104, %dma_wait3A_114] : memref<3x4x128xi32, #tpu.memory_space<vmem>> -> memref<1x1x128xi32, #tpu.memory_space<vmem>>
      %dma_wait3A_116 = tpu.memref_squeeze %dma_wait3A_115 : memref<1x1x128xi32, #tpu.memory_space<vmem>> -> memref<128xi32, #tpu.memory_space<vmem>>
      %dma_wait3A_117 = arith.constant 0 : i32
      %dma_wait3A_118 = arith.constant 0 : i32
      %dma_wait3A_119 = tpu.memref_slice %arg3[%dma_wait3A_117, %dma_wait3A_118] : memref<100000x128xf32, #tpu.memory_space<hbm>> -> memref<100000x128xf32, #tpu.memory_space<hbm>>
      %dma_wait3A_120 = tpu.memref_slice %arg11[%and3A_106] : memref<2x!tpu.dma_semaphore, #tpu.memory_space<semaphore_mem>> -> memref<1x!tpu.dma_semaphore, #tpu.memory_space<semaphore_mem>>
      %dma_wait3A_121 = tpu.memref_squeeze %dma_wait3A_120 : memref<1x!tpu.dma_semaphore, #tpu.memory_space<semaphore_mem>> -> memref<!tpu.dma_semaphore, #tpu.memory_space<semaphore_mem>>
      tpu.wait_indirect_dma semaphore(%dma_wait3A_121 : memref<!tpu.dma_semaphore, #tpu.memory_space<semaphore_mem>>) src(%dma_wait3A_119 : memref<100000x128xf32, #tpu.memory_space<hbm>>) dst(%dma_wait3A_113 : memref<128x128xf32, #tpu.memory_space<vmem>>)
      %dma_wait3A_122 = arith.constant 2 : i32
      %dma_wait3A_123 = arith.constant 0 : i32
      %dma_wait3A_124 = arith.constant 0 : i32
      %dma_wait3A_125 = tpu.memref_slice %arg8[%and3A_106, %dma_wait3A_123, %dma_wait3A_124] : memref<2x128x128xf32, #tpu.memory_space<vmem>> -> memref<1x128x128xf32, #tpu.memory_space<vmem>>
      %dma_wait3A_126 = tpu.memref_squeeze %dma_wait3A_125 : memref<1x128x128xf32, #tpu.memory_space<vmem>> -> memref<128x128xf32, #tpu.memory_space<vmem>>
      %dma_wait3A_127 = arith.constant 0 : i32
      %dma_wait3A_128 = tpu.memref_slice %arg6[%dma_wait3A_122, %scan3A_104, %dma_wait3A_127] : memref<3x4x128xi32, #tpu.memory_space<vmem>> -> memref<1x1x128xi32, #tpu.memory_space<vmem>>
      %dma_wait3A_129 = tpu.memref_squeeze %dma_wait3A_128 : memref<1x1x128xi32, #tpu.memory_space<vmem>> -> memref<128xi32, #tpu.memory_space<vmem>>
      %dma_wait3A_130 = arith.constant 0 : i32
      %dma_wait3A_131 = arith.constant 0 : i32
      %dma_wait3A_132 = tpu.memref_slice %arg3[%dma_wait3A_130, %dma_wait3A_131] : memref<100000x128xf32, #tpu.memory_space<hbm>> -> memref<100000x128xf32, #tpu.memory_space<hbm>>
      %dma_wait3A_133 = tpu.memref_slice %arg12[%and3A_106] : memref<2x!tpu.dma_semaphore, #tpu.memory_space<semaphore_mem>> -> memref<1x!tpu.dma_semaphore, #tpu.memory_space<semaphore_mem>>
      %dma_wait3A_134 = tpu.memref_squeeze %dma_wait3A_133 : memref<1x!tpu.dma_semaphore, #tpu.memory_space<semaphore_mem>> -> memref<!tpu.dma_semaphore, #tpu.memory_space<semaphore_mem>>
      tpu.wait_indirect_dma semaphore(%dma_wait3A_134 : memref<!tpu.dma_semaphore, #tpu.memory_space<semaphore_mem>>) src(%dma_wait3A_132 : memref<100000x128xf32, #tpu.memory_space<hbm>>) dst(%dma_wait3A_126 : memref<128x128xf32, #tpu.memory_space<vmem>>)
      %dma_wait3A_135 = arith.constant 0 : i32
      %dma_wait3A_136 = arith.constant 0 : i32
      %dma_wait3A_137 = arith.constant 0 : i32
      %dma_wait3A_138 = tpu.memref_slice %arg9[%and3A_106, %dma_wait3A_136, %dma_wait3A_137] : memref<2x128x128xf32, #tpu.memory_space<vmem>> -> memref<1x128x128xf32, #tpu.memory_space<vmem>>
      %dma_wait3A_139 = tpu.memref_squeeze %dma_wait3A_138 : memref<1x128x128xf32, #tpu.memory_space<vmem>> -> memref<128x128xf32, #tpu.memory_space<vmem>>
      %dma_wait3A_140 = arith.constant 0 : i32
      %dma_wait3A_141 = tpu.memref_slice %arg6[%dma_wait3A_135, %scan3A_104, %dma_wait3A_140] : memref<3x4x128xi32, #tpu.memory_space<vmem>> -> memref<1x1x128xi32, #tpu.memory_space<vmem>>
      %dma_wait3A_142 = tpu.memref_squeeze %dma_wait3A_141 : memref<1x1x128xi32, #tpu.memory_space<vmem>> -> memref<128xi32, #tpu.memory_space<vmem>>
      %dma_wait3A_143 = arith.constant 0 : i32
      %dma_wait3A_144 = arith.constant 0 : i32
      %dma_wait3A_145 = tpu.memref_slice %arg4[%dma_wait3A_143, %dma_wait3A_144] : memref<100000x128xf32, #tpu.memory_space<hbm>> -> memref<100000x128xf32, #tpu.memory_space<hbm>>
      %dma_wait3A_146 = tpu.memref_slice %arg13[%and3A_106] : memref<2x!tpu.dma_semaphore, #tpu.memory_space<semaphore_mem>> -> memref<1x!tpu.dma_semaphore, #tpu.memory_space<semaphore_mem>>
      %dma_wait3A_147 = tpu.memref_squeeze %dma_wait3A_146 : memref<1x!tpu.dma_semaphore, #tpu.memory_space<semaphore_mem>> -> memref<!tpu.dma_semaphore, #tpu.memory_space<semaphore_mem>>
      tpu.wait_indirect_dma semaphore(%dma_wait3A_147 : memref<!tpu.dma_semaphore, #tpu.memory_space<semaphore_mem>>) src(%dma_wait3A_145 : memref<100000x128xf32, #tpu.memory_space<hbm>>) dst(%dma_wait3A_139 : memref<128x128xf32, #tpu.memory_space<vmem>>)
      %scan3A_148 = arith.constant 0 : i32
      %scan3A_149 = arith.constant 0 : i32
      %scan3A_150 = arith.constant 8 : i32
      %scan3A_151 = arith.addi %scan3A_149, %scan3A_150 : i32
      %scan3A_152 = arith.constant 1 : i32
      %scan3A_153 = scf.for %scan3A_158 = %scan3A_149 to %scan3A_151 step %scan3A_152 iter_args(%scan3A_159 = %scan3A_148) -> (i32)  : i32 {
        %mul3A_160 = arith.constant 16 : i32
        %mul3A_161 = arith.muli %scan3A_158, %mul3A_160 : i32
        %add3A_162 = vector.broadcast %mul3A_161 : i32 to vector<16xi32>
        %add3A_163 = arith.addi %iota3A, %add3A_162 : vector<16xi32>
        %broadcast_in_dim3A_164 = arith.constant 0.000000e+00 : f32
        %broadcast_in_dim3A_165 = vector.broadcast %broadcast_in_dim3A_164 : f32 to vector<16xf32>
        %scan3A_166 = arith.constant 0 : i32
        %scan3A_167 = arith.constant 8 : i32
        %scan3A_168 = arith.addi %scan3A_166, %scan3A_167 : i32
        %scan3A_169 = arith.constant 1 : i32
        %scan3A_170:4 = scf.for %scan3A_182 = %scan3A_166 to %scan3A_168 step %scan3A_169 iter_args(%scan3A_183 = %broadcast_in_dim3A_165, %scan3A_184 = %broadcast_in_dim3A_165, %scan3A_185 = %broadcast_in_dim3A_165, %scan3A_186 = %broadcast_in_dim3A_165) -> (vector<16xf32>, vector<16xf32>, vector<16xf32>, vector<16xf32>)  : i32 {
          %mul3A_187 = arith.constant 16 : i32
          %mul3A_188 = arith.muli %scan3A_182, %mul3A_187 : i32
          %add3A_189 = arith.constant 0 : i32
          %add3A_190 = arith.addi %mul3A_188, %add3A_189 : i32
          %add3A_191 = vector.broadcast %add3A_190 : i32 to vector<16xi32>
          %add3A_192 = arith.addi %iota3A, %add3A_191 : vector<16xi32>
          %and3A_193 = arith.constant 127 : i32
          %and3A_194 = vector.broadcast %and3A_193 : i32 to vector<16xi32>
          %and3A_195 = arith.andi %add3A_192, %and3A_194 : vector<16xi32>
          %gather3A = tpu.vector_load_idx %arg7[%add3A_109, %add3A_163, %and3A_195] : memref<2x128x128xf32, #tpu.memory_space<vmem>>[vector<16xi32>, vector<16xi32>, vector<16xi32>], vector<16xf32>,
          %gather3A_196 = tpu.vector_load_idx %arg8[%add3A_109, %add3A_163, %and3A_195] : memref<2x128x128xf32, #tpu.memory_space<vmem>>[vector<16xi32>, vector<16xi32>, vector<16xi32>], vector<16xf32>,
          %gather3A_197 = tpu.vector_load_idx %arg9[%add3A_109, %add3A_163, %and3A_195] : memref<2x128x128xf32, #tpu.memory_space<vmem>>[vector<16xi32>, vector<16xi32>, vector<16xi32>], vector<16xf32>,
          %sub3A = arith.subf %gather3A, %gather3A_196 : vector<16xf32>
          %mul3A_198 = arith.mulf %sub3A, %gather3A_197 : vector<16xf32>
          %add3A_199 = arith.addf %scan3A_183, %mul3A_198 : vector<16xf32>
          %add3A_200 = arith.constant 1 : i32
          %add3A_201 = arith.addi %mul3A_188, %add3A_200 : i32
          %add3A_202 = vector.broadcast %add3A_201 : i32 to vector<16xi32>
          %add3A_203 = arith.addi %iota3A, %add3A_202 : vector<16xi32>
          %and3A_204 = arith.constant 127 : i32
          %and3A_205 = vector.broadcast %and3A_204 : i32 to vector<16xi32>
          %and3A_206 = arith.andi %add3A_203, %and3A_205 : vector<16xi32>
          %gather3A_207 = tpu.vector_load_idx %arg7[%add3A_109, %add3A_163, %and3A_206] : memref<2x128x128xf32, #tpu.memory_space<vmem>>[vector<16xi32>, vector<16xi32>, vector<16xi32>], vector<16xf32>,
          %gather3A_208 = tpu.vector_load_idx %arg8[%add3A_109, %add3A_163, %and3A_206] : memref<2x128x128xf32, #tpu.memory_space<vmem>>[vector<16xi32>, vector<16xi32>, vector<16xi32>], vector<16xf32>,
          %gather3A_209 = tpu.vector_load_idx %arg9[%add3A_109, %add3A_163, %and3A_206] : memref<2x128x128xf32, #tpu.memory_space<vmem>>[vector<16xi32>, vector<16xi32>, vector<16xi32>], vector<16xf32>,
          %sub3A_210 = arith.subf %gather3A_207, %gather3A_208 : vector<16xf32>
          %mul3A_211 = arith.mulf %sub3A_210, %gather3A_209 : vector<16xf32>
          %add3A_212 = arith.addf %scan3A_184, %mul3A_211 : vector<16xf32>
          %add3A_213 = arith.constant 2 : i32
          %add3A_214 = arith.addi %mul3A_188, %add3A_213 : i32
          %add3A_215 = vector.broadcast %add3A_214 : i32 to vector<16xi32>
          %add3A_216 = arith.addi %iota3A, %add3A_215 : vector<16xi32>
          %and3A_217 = arith.constant 127 : i32
          %and3A_218 = vector.broadcast %and3A_217 : i32 to vector<16xi32>
          %and3A_219 = arith.andi %add3A_216, %and3A_218 : vector<16xi32>
          %gather3A_220 = tpu.vector_load_idx %arg7[%add3A_109, %add3A_163, %and3A_219] : memref<2x128x128xf32, #tpu.memory_space<vmem>>[vector<16xi32>, vector<16xi32>, vector<16xi32>], vector<16xf32>,
          %gather3A_221 = tpu.vector_load_idx %arg8[%add3A_109, %add3A_163, %and3A_219] : memref<2x128x128xf32, #tpu.memory_space<vmem>>[vector<16xi32>, vector<16xi32>, vector<16xi32>], vector<16xf32>,
          %gather3A_222 = tpu.vector_load_idx %arg9[%add3A_109, %add3A_163, %and3A_219] : memref<2x128x128xf32, #tpu.memory_space<vmem>>[vector<16xi32>, vector<16xi32>, vector<16xi32>], vector<16xf32>,
          %sub3A_223 = arith.subf %gather3A_220, %gather3A_221 : vector<16xf32>
          %mul3A_224 = arith.mulf %sub3A_223, %gather3A_222 : vector<16xf32>
          %add3A_225 = arith.addf %scan3A_185, %mul3A_224 : vector<16xf32>
          %add3A_226 = arith.constant 3 : i32
          %add3A_227 = arith.addi %mul3A_188, %add3A_226 : i32
          %add3A_228 = vector.broadcast %add3A_227 : i32 to vector<16xi32>
          %add3A_229 = arith.addi %iota3A, %add3A_228 : vector<16xi32>
          %and3A_230 = arith.constant 127 : i32
          %and3A_231 = vector.broadcast %and3A_230 : i32 to vector<16xi32>
          %and3A_232 = arith.andi %add3A_229, %and3A_231 : vector<16xi32>
          %gather3A_233 = tpu.vector_load_idx %arg7[%add3A_109, %add3A_163, %and3A_232] : memref<2x128x128xf32, #tpu.memory_space<vmem>>[vector<16xi32>, vector<16xi32>, vector<16xi32>], vector<16xf32>,
          %gather3A_234 = tpu.vector_load_idx %arg8[%add3A_109, %add3A_163, %and3A_232] : memref<2x128x128xf32, #tpu.memory_space<vmem>>[vector<16xi32>, vector<16xi32>, vector<16xi32>], vector<16xf32>,
          %gather3A_235 = tpu.vector_load_idx %arg9[%add3A_109, %add3A_163, %and3A_232] : memref<2x128x128xf32, #tpu.memory_space<vmem>>[vector<16xi32>, vector<16xi32>, vector<16xi32>], vector<16xf32>,
          %sub3A_236 = arith.subf %gather3A_233, %gather3A_234 : vector<16xf32>
          %mul3A_237 = arith.mulf %sub3A_236, %gather3A_235 : vector<16xf32>
          %add3A_238 = arith.addf %scan3A_186, %mul3A_237 : vector<16xf32>
          %add3A_239 = arith.constant 4 : i32
          %add3A_240 = arith.addi %mul3A_188, %add3A_239 : i32
          %add3A_241 = vector.broadcast %add3A_240 : i32 to vector<16xi32>
          %add3A_242 = arith.addi %iota3A, %add3A_241 : vector<16xi32>
          %and3A_243 = arith.constant 127 : i32
          %and3A_244 = vector.broadcast %and3A_243 : i32 to vector<16xi32>
          %and3A_245 = arith.andi %add3A_242, %and3A_244 : vector<16xi32>
          %gather3A_246 = tpu.vector_load_idx %arg7[%add3A_109, %add3A_163, %and3A_245] : memref<2x128x128xf32, #tpu.memory_space<vmem>>[vector<16xi32>, vector<16xi32>, vector<16xi32>], vector<16xf32>,
          %gather3A_247 = tpu.vector_load_idx %arg8[%add3A_109, %add3A_163, %and3A_245] : memref<2x128x128xf32, #tpu.memory_space<vmem>>[vector<16xi32>, vector<16xi32>, vector<16xi32>], vector<16xf32>,
          %gather3A_248 = tpu.vector_load_idx %arg9[%add3A_109, %add3A_163, %and3A_245] : memref<2x128x128xf32, #tpu.memory_space<vmem>>[vector<16xi32>, vector<16xi32>, vector<16xi32>], vector<16xf32>,
          %sub3A_249 = arith.subf %gather3A_246, %gather3A_247 : vector<16xf32>
          %mul3A_250 = arith.mulf %sub3A_249, %gather3A_248 : vector<16xf32>
          %add3A_251 = arith.addf %add3A_199, %mul3A_250 : vector<16xf32>
          %add3A_252 = arith.constant 5 : i32
          %add3A_253 = arith.addi %mul3A_188, %add3A_252 : i32
          %add3A_254 = vector.broadcast %add3A_253 : i32 to vector<16xi32>
          %add3A_255 = arith.addi %iota3A, %add3A_254 : vector<16xi32>
          %and3A_256 = arith.constant 127 : i32
          %and3A_257 = vector.broadcast %and3A_256 : i32 to vector<16xi32>
          %and3A_258 = arith.andi %add3A_255, %and3A_257 : vector<16xi32>
          %gather3A_259 = tpu.vector_load_idx %arg7[%add3A_109, %add3A_163, %and3A_258] : memref<2x128x128xf32, #tpu.memory_space<vmem>>[vector<16xi32>, vector<16xi32>, vector<16xi32>], vector<16xf32>,
          %gather3A_260 = tpu.vector_load_idx %arg8[%add3A_109, %add3A_163, %and3A_258] : memref<2x128x128xf32, #tpu.memory_space<vmem>>[vector<16xi32>, vector<16xi32>, vector<16xi32>], vector<16xf32>,
          %gather3A_261 = tpu.vector_load_idx %arg9[%add3A_109, %add3A_163, %and3A_258] : memref<2x128x128xf32, #tpu.memory_space<vmem>>[vector<16xi32>, vector<16xi32>, vector<16xi32>], vector<16xf32>,
          %sub3A_262 = arith.subf %gather3A_259, %gather3A_260 : vector<16xf32>
          %mul3A_263 = arith.mulf %sub3A_262, %gather3A_261 : vector<16xf32>
          %add3A_264 = arith.addf %add3A_212, %mul3A_263 : vector<16xf32>
          %add3A_265 = arith.constant 6 : i32
          %add3A_266 = arith.addi %mul3A_188, %add3A_265 : i32
          %add3A_267 = vector.broadcast %add3A_266 : i32 to vector<16xi32>
          %add3A_268 = arith.addi %iota3A, %add3A_267 : vector<16xi32>
          %and3A_269 = arith.constant 127 : i32
          %and3A_270 = vector.broadcast %and3A_269 : i32 to vector<16xi32>
          %and3A_271 = arith.andi %add3A_268, %and3A_270 : vector<16xi32>
          %gather3A_272 = tpu.vector_load_idx %arg7[%add3A_109, %add3A_163, %and3A_271] : memref<2x128x128xf32, #tpu.memory_space<vmem>>[vector<16xi32>, vector<16xi32>, vector<16xi32>], vector<16xf32>,
          %gather3A_273 = tpu.vector_load_idx %arg8[%add3A_109, %add3A_163, %and3A_271] : memref<2x128x128xf32, #tpu.memory_space<vmem>>[vector<16xi32>, vector<16xi32>, vector<16xi32>], vector<16xf32>,
          %gather3A_274 = tpu.vector_load_idx %arg9[%add3A_109, %add3A_163, %and3A_271] : memref<2x128x128xf32, #tpu.memory_space<vmem>>[vector<16xi32>, vector<16xi32>, vector<16xi32>], vector<16xf32>,
          %sub3A_275 = arith.subf %gather3A_272, %gather3A_273 : vector<16xf32>
          %mul3A_276 = arith.mulf %sub3A_275, %gather3A_274 : vector<16xf32>
          %add3A_277 = arith.addf %add3A_225, %mul3A_276 : vector<16xf32>
          %add3A_278 = arith.constant 7 : i32
          %add3A_279 = arith.addi %mul3A_188, %add3A_278 : i32
          %add3A_280 = vector.broadcast %add3A_279 : i32 to vector<16xi32>
          %add3A_281 = arith.addi %iota3A, %add3A_280 : vector<16xi32>
          %and3A_282 = arith.constant 127 : i32
          %and3A_283 = vector.broadcast %and3A_282 : i32 to vector<16xi32>
          %and3A_284 = arith.andi %add3A_281, %and3A_283 : vector<16xi32>
          %gather3A_285 = tpu.vector_load_idx %arg7[%add3A_109, %add3A_163, %and3A_284] : memref<2x128x128xf32, #tpu.memory_space<vmem>>[vector<16xi32>, vector<16xi32>, vector<16xi32>], vector<16xf32>,
          %gather3A_286 = tpu.vector_load_idx %arg8[%add3A_109, %add3A_163, %and3A_284] : memref<2x128x128xf32, #tpu.memory_space<vmem>>[vector<16xi32>, vector<16xi32>, vector<16xi32>], vector<16xf32>,
          %gather3A_287 = tpu.vector_load_idx %arg9[%add3A_109, %add3A_163, %and3A_284] : memref<2x128x128xf32, #tpu.memory_space<vmem>>[vector<16xi32>, vector<16xi32>, vector<16xi32>], vector<16xf32>,
          %sub3A_288 = arith.subf %gather3A_285, %gather3A_286 : vector<16xf32>
          %mul3A_289 = arith.mulf %sub3A_288, %gather3A_287 : vector<16xf32>
          %add3A_290 = arith.addf %add3A_238, %mul3A_289 : vector<16xf32>
          %add3A_291 = arith.constant 8 : i32
          %add3A_292 = arith.addi %mul3A_188, %add3A_291 : i32
          %add3A_293 = vector.broadcast %add3A_292 : i32 to vector<16xi32>
          %add3A_294 = arith.addi %iota3A, %add3A_293 : vector<16xi32>
          %and3A_295 = arith.constant 127 : i32
          %and3A_296 = vector.broadcast %and3A_295 : i32 to vector<16xi32>
          %and3A_297 = arith.andi %add3A_294, %and3A_296 : vector<16xi32>
          %gather3A_298 = tpu.vector_load_idx %arg7[%add3A_109, %add3A_163, %and3A_297] : memref<2x128x128xf32, #tpu.memory_space<vmem>>[vector<16xi32>, vector<16xi32>, vector<16xi32>], vector<16xf32>,
          %gather3A_299 = tpu.vector_load_idx %arg8[%add3A_109, %add3A_163, %and3A_297] : memref<2x128x128xf32, #tpu.memory_space<vmem>>[vector<16xi32>, vector<16xi32>, vector<16xi32>], vector<16xf32>,
          %gather3A_300 = tpu.vector_load_idx %arg9[%add3A_109, %add3A_163, %and3A_297] : memref<2x128x128xf32, #tpu.memory_space<vmem>>[vector<16xi32>, vector<16xi32>, vector<16xi32>], vector<16xf32>,
          %sub3A_301 = arith.subf %gather3A_298, %gather3A_299 : vector<16xf32>
          %mul3A_302 = arith.mulf %sub3A_301, %gather3A_300 : vector<16xf32>
          %add3A_303 = arith.addf %add3A_251, %mul3A_302 : vector<16xf32>
          %add3A_304 = arith.constant 9 : i32
          %add3A_305 = arith.addi %mul3A_188, %add3A_304 : i32
          %add3A_306 = vector.broadcast %add3A_305 : i32 to vector<16xi32>
          %add3A_307 = arith.addi %iota3A, %add3A_306 : vector<16xi32>
          %and3A_308 = arith.constant 127 : i32
          %and3A_309 = vector.broadcast %and3A_308 : i32 to vector<16xi32>
          %and3A_310 = arith.andi %add3A_307, %and3A_309 : vector<16xi32>
          %gather3A_311 = tpu.vector_load_idx %arg7[%add3A_109, %add3A_163, %and3A_310] : memref<2x128x128xf32, #tpu.memory_space<vmem>>[vector<16xi32>, vector<16xi32>, vector<16xi32>], vector<16xf32>,
          %gather3A_312 = tpu.vector_load_idx %arg8[%add3A_109, %add3A_163, %and3A_310] : memref<2x128x128xf32, #tpu.memory_space<vmem>>[vector<16xi32>, vector<16xi32>, vector<16xi32>], vector<16xf32>,
          %gather3A_313 = tpu.vector_load_idx %arg9[%add3A_109, %add3A_163, %and3A_310] : memref<2x128x128xf32, #tpu.memory_space<vmem>>[vector<16xi32>, vector<16xi32>, vector<16xi32>], vector<16xf32>,
          %sub3A_314 = arith.subf %gather3A_311, %gather3A_312 : vector<16xf32>
          %mul3A_315 = arith.mulf %sub3A_314, %gather3A_313 : vector<16xf32>
          %add3A_316 = arith.addf %add3A_264, %mul3A_315 : vector<16xf32>
          %add3A_317 = arith.constant 10 : i32
          %add3A_318 = arith.addi %mul3A_188, %add3A_317 : i32
          %add3A_319 = vector.broadcast %add3A_318 : i32 to vector<16xi32>
          %add3A_320 = arith.addi %iota3A, %add3A_319 : vector<16xi32>
          %and3A_321 = arith.constant 127 : i32
          %and3A_322 = vector.broadcast %and3A_321 : i32 to vector<16xi32>
          %and3A_323 = arith.andi %add3A_320, %and3A_322 : vector<16xi32>
          %gather3A_324 = tpu.vector_load_idx %arg7[%add3A_109, %add3A_163, %and3A_323] : memref<2x128x128xf32, #tpu.memory_space<vmem>>[vector<16xi32>, vector<16xi32>, vector<16xi32>], vector<16xf32>,
          %gather3A_325 = tpu.vector_load_idx %arg8[%add3A_109, %add3A_163, %and3A_323] : memref<2x128x128xf32, #tpu.memory_space<vmem>>[vector<16xi32>, vector<16xi32>, vector<16xi32>], vector<16xf32>,
          %gather3A_326 = tpu.vector_load_idx %arg9[%add3A_109, %add3A_163, %and3A_323] : memref<2x128x128xf32, #tpu.memory_space<vmem>>[vector<16xi32>, vector<16xi32>, vector<16xi32>], vector<16xf32>,
          %sub3A_327 = arith.subf %gather3A_324, %gather3A_325 : vector<16xf32>
          %mul3A_328 = arith.mulf %sub3A_327, %gather3A_326 : vector<16xf32>
          %add3A_329 = arith.addf %add3A_277, %mul3A_328 : vector<16xf32>
          %add3A_330 = arith.constant 11 : i32
          %add3A_331 = arith.addi %mul3A_188, %add3A_330 : i32
          %add3A_332 = vector.broadcast %add3A_331 : i32 to vector<16xi32>
          %add3A_333 = arith.addi %iota3A, %add3A_332 : vector<16xi32>
          %and3A_334 = arith.constant 127 : i32
          %and3A_335 = vector.broadcast %and3A_334 : i32 to vector<16xi32>
          %and3A_336 = arith.andi %add3A_333, %and3A_335 : vector<16xi32>
          %gather3A_337 = tpu.vector_load_idx %arg7[%add3A_109, %add3A_163, %and3A_336] : memref<2x128x128xf32, #tpu.memory_space<vmem>>[vector<16xi32>, vector<16xi32>, vector<16xi32>], vector<16xf32>,
          %gather3A_338 = tpu.vector_load_idx %arg8[%add3A_109, %add3A_163, %and3A_336] : memref<2x128x128xf32, #tpu.memory_space<vmem>>[vector<16xi32>, vector<16xi32>, vector<16xi32>], vector<16xf32>,
          %gather3A_339 = tpu.vector_load_idx %arg9[%add3A_109, %add3A_163, %and3A_336] : memref<2x128x128xf32, #tpu.memory_space<vmem>>[vector<16xi32>, vector<16xi32>, vector<16xi32>], vector<16xf32>,
          %sub3A_340 = arith.subf %gather3A_337, %gather3A_338 : vector<16xf32>
          %mul3A_341 = arith.mulf %sub3A_340, %gather3A_339 : vector<16xf32>
          %add3A_342 = arith.addf %add3A_290, %mul3A_341 : vector<16xf32>
          %add3A_343 = arith.constant 12 : i32
          %add3A_344 = arith.addi %mul3A_188, %add3A_343 : i32
          %add3A_345 = vector.broadcast %add3A_344 : i32 to vector<16xi32>
          %add3A_346 = arith.addi %iota3A, %add3A_345 : vector<16xi32>
          %and3A_347 = arith.constant 127 : i32
          %and3A_348 = vector.broadcast %and3A_347 : i32 to vector<16xi32>
          %and3A_349 = arith.andi %add3A_346, %and3A_348 : vector<16xi32>
          %gather3A_350 = tpu.vector_load_idx %arg7[%add3A_109, %add3A_163, %and3A_349] : memref<2x128x128xf32, #tpu.memory_space<vmem>>[vector<16xi32>, vector<16xi32>, vector<16xi32>], vector<16xf32>,
          %gather3A_351 = tpu.vector_load_idx %arg8[%add3A_109, %add3A_163, %and3A_349] : memref<2x128x128xf32, #tpu.memory_space<vmem>>[vector<16xi32>, vector<16xi32>, vector<16xi32>], vector<16xf32>,
          %gather3A_352 = tpu.vector_load_idx %arg9[%add3A_109, %add3A_163, %and3A_349] : memref<2x128x128xf32, #tpu.memory_space<vmem>>[vector<16xi32>, vector<16xi32>, vector<16xi32>], vector<16xf32>,
          %sub3A_353 = arith.subf %gather3A_350, %gather3A_351 : vector<16xf32>
          %mul3A_354 = arith.mulf %sub3A_353, %gather3A_352 : vector<16xf32>
          %add3A_355 = arith.addf %add3A_303, %mul3A_354 : vector<16xf32>
          %add3A_356 = arith.constant 13 : i32
          %add3A_357 = arith.addi %mul3A_188, %add3A_356 : i32
          %add3A_358 = vector.broadcast %add3A_357 : i32 to vector<16xi32>
          %add3A_359 = arith.addi %iota3A, %add3A_358 : vector<16xi32>
          %and3A_360 = arith.constant 127 : i32
          %and3A_361 = vector.broadcast %and3A_360 : i32 to vector<16xi32>
          %and3A_362 = arith.andi %add3A_359, %and3A_361 : vector<16xi32>
          %gather3A_363 = tpu.vector_load_idx %arg7[%add3A_109, %add3A_163, %and3A_362] : memref<2x128x128xf32, #tpu.memory_space<vmem>>[vector<16xi32>, vector<16xi32>, vector<16xi32>], vector<16xf32>,
          %gather3A_364 = tpu.vector_load_idx %arg8[%add3A_109, %add3A_163, %and3A_362] : memref<2x128x128xf32, #tpu.memory_space<vmem>>[vector<16xi32>, vector<16xi32>, vector<16xi32>], vector<16xf32>,
          %gather3A_365 = tpu.vector_load_idx %arg9[%add3A_109, %add3A_163, %and3A_362] : memref<2x128x128xf32, #tpu.memory_space<vmem>>[vector<16xi32>, vector<16xi32>, vector<16xi32>], vector<16xf32>,
          %sub3A_366 = arith.subf %gather3A_363, %gather3A_364 : vector<16xf32>
          %mul3A_367 = arith.mulf %sub3A_366, %gather3A_365 : vector<16xf32>
          %add3A_368 = arith.addf %add3A_316, %mul3A_367 : vector<16xf32>
          %add3A_369 = arith.constant 14 : i32
          %add3A_370 = arith.addi %mul3A_188, %add3A_369 : i32
          %add3A_371 = vector.broadcast %add3A_370 : i32 to vector<16xi32>
          %add3A_372 = arith.addi %iota3A, %add3A_371 : vector<16xi32>
          %and3A_373 = arith.constant 127 : i32
          %and3A_374 = vector.broadcast %and3A_373 : i32 to vector<16xi32>
          %and3A_375 = arith.andi %add3A_372, %and3A_374 : vector<16xi32>
          %gather3A_376 = tpu.vector_load_idx %arg7[%add3A_109, %add3A_163, %and3A_375] : memref<2x128x128xf32, #tpu.memory_space<vmem>>[vector<16xi32>, vector<16xi32>, vector<16xi32>], vector<16xf32>,
          %gather3A_377 = tpu.vector_load_idx %arg8[%add3A_109, %add3A_163, %and3A_375] : memref<2x128x128xf32, #tpu.memory_space<vmem>>[vector<16xi32>, vector<16xi32>, vector<16xi32>], vector<16xf32>,
          %gather3A_378 = tpu.vector_load_idx %arg9[%add3A_109, %add3A_163, %and3A_375] : memref<2x128x128xf32, #tpu.memory_space<vmem>>[vector<16xi32>, vector<16xi32>, vector<16xi32>], vector<16xf32>,
          %sub3A_379 = arith.subf %gather3A_376, %gather3A_377 : vector<16xf32>
          %mul3A_380 = arith.mulf %sub3A_379, %gather3A_378 : vector<16xf32>
          %add3A_381 = arith.addf %add3A_329, %mul3A_380 : vector<16xf32>
          %add3A_382 = arith.constant 15 : i32
          %add3A_383 = arith.addi %mul3A_188, %add3A_382 : i32
          %add3A_384 = vector.broadcast %add3A_383 : i32 to vector<16xi32>
          %add3A_385 = arith.addi %iota3A, %add3A_384 : vector<16xi32>
          %and3A_386 = arith.constant 127 : i32
          %and3A_387 = vector.broadcast %and3A_386 : i32 to vector<16xi32>
          %and3A_388 = arith.andi %add3A_385, %and3A_387 : vector<16xi32>
          %gather3A_389 = tpu.vector_load_idx %arg7[%add3A_109, %add3A_163, %and3A_388] : memref<2x128x128xf32, #tpu.memory_space<vmem>>[vector<16xi32>, vector<16xi32>, vector<16xi32>], vector<16xf32>,
          %gather3A_390 = tpu.vector_load_idx %arg8[%add3A_109, %add3A_163, %and3A_388] : memref<2x128x128xf32, #tpu.memory_space<vmem>>[vector<16xi32>, vector<16xi32>, vector<16xi32>], vector<16xf32>,
          %gather3A_391 = tpu.vector_load_idx %arg9[%add3A_109, %add3A_163, %and3A_388] : memref<2x128x128xf32, #tpu.memory_space<vmem>>[vector<16xi32>, vector<16xi32>, vector<16xi32>], vector<16xf32>,
          %sub3A_392 = arith.subf %gather3A_389, %gather3A_390 : vector<16xf32>
          %mul3A_393 = arith.mulf %sub3A_392, %gather3A_391 : vector<16xf32>
          %add3A_394 = arith.addf %add3A_342, %mul3A_393 : vector<16xf32>
          scf.yield %add3A_355, %add3A_368, %add3A_381, %add3A_394 : vector<16xf32>, vector<16xf32>, vector<16xf32>, vector<16xf32>
        }
        %scan3A_171 = arith.constant 8 : i32
        %add3A_172 = arith.addf %scan3A_170#0, %scan3A_170#1 : vector<16xf32>
        %add3A_173 = arith.addf %scan3A_170#2, %scan3A_170#3 : vector<16xf32>
        %add3A_174 = arith.addf %add3A_172, %add3A_173 : vector<16xf32>
        %mul3A_175 = arith.constant 128 : i32
        %mul3A_176 = arith.muli %scan3A_104, %mul3A_175 : i32
        %mul3A_177 = arith.constant 16 : i32
        %mul3A_178 = arith.muli %scan3A_158, %mul3A_177 : i32
        %add3A_179 = arith.addi %mul3A_176, %mul3A_178 : i32
        %swap3A = arith.index_cast %add3A_179 : i32 to index
        %swap3A_180 = tpu.vector_load %arg10[%swap3A] {strides = array<i32>} : memref<512xf32, #tpu.memory_space<vmem>>, vector<16xf32>,
        tpu.vector_store %arg10[%swap3A], %add3A_174 {strides = array<i32>} : memref<512xf32, #tpu.memory_space<vmem>>, vector<16xf32>,
        %scan3A_181 = arith.constant 0 : i32
        scf.yield %scan3A_181 : i32
      }
      %scan3A_154 = arith.constant 8 : i32
      %lt3A = arith.constant 2 : i32
      %lt3A_155 = arith.cmpi slt, %scan3A_104, %lt3A : i32
      %convert_element_type3A = arith.extui %lt3A_155 : i1 to i32
      %cond3A = arith.constant 0 : i32
      %cond3A_156 = arith.cmpi ne, %convert_element_type3A, %cond3A : i32
      scf.if %cond3A_156 {
        %add3A_158 = arith.constant 2 : i32
        %add3A_159 = arith.addi %scan3A_104, %add3A_158 : i32
        %dma_start3A_160 = arith.constant 1 : i32
        %dma_start3A_161 = arith.constant 0 : i32
        %dma_start3A_162 = arith.constant 0 : i32
        %dma_start3A_163 = tpu.memref_slice %arg7[%and3A_106, %dma_start3A_161, %dma_start3A_162] : memref<2x128x128xf32, #tpu.memory_space<vmem>> -> memref<1x128x128xf32, #tpu.memory_space<vmem>>
        %dma_start3A_164 = tpu.memref_squeeze %dma_start3A_163 : memref<1x128x128xf32, #tpu.memory_space<vmem>> -> memref<128x128xf32, #tpu.memory_space<vmem>>
        %dma_start3A_165 = arith.constant 0 : i32
        %dma_start3A_166 = tpu.memref_slice %arg6[%dma_start3A_160, %add3A_159, %dma_start3A_165] : memref<3x4x128xi32, #tpu.memory_space<vmem>> -> memref<1x1x128xi32, #tpu.memory_space<vmem>>
        %dma_start3A_167 = tpu.memref_squeeze %dma_start3A_166 : memref<1x1x128xi32, #tpu.memory_space<vmem>> -> memref<128xi32, #tpu.memory_space<vmem>>
        %dma_start3A_168 = arith.constant 0 : i32
        %dma_start3A_169 = arith.constant 0 : i32
        %dma_start3A_170 = tpu.memref_slice %arg3[%dma_start3A_168, %dma_start3A_169] : memref<100000x128xf32, #tpu.memory_space<hbm>> -> memref<100000x128xf32, #tpu.memory_space<hbm>>
        %dma_start3A_171 = tpu.memref_slice %arg11[%and3A_106] : memref<2x!tpu.dma_semaphore, #tpu.memory_space<semaphore_mem>> -> memref<1x!tpu.dma_semaphore, #tpu.memory_space<semaphore_mem>>
        %dma_start3A_172 = tpu.memref_squeeze %dma_start3A_171 : memref<1x!tpu.dma_semaphore, #tpu.memory_space<semaphore_mem>> -> memref<!tpu.dma_semaphore, #tpu.memory_space<semaphore_mem>>
        tpu.enqueue_indirect_dma source(%dma_start3A_170 : memref<100000x128xf32, #tpu.memory_space<hbm>>) target(%dma_start3A_164 : memref<128x128xf32, #tpu.memory_space<vmem>>) offsets(%dma_start3A_167 : memref<128xi32, #tpu.memory_space<vmem>>) semaphore(%dma_start3A_172 : memref<!tpu.dma_semaphore, #tpu.memory_space<semaphore_mem>>)
        %dma_start3A_173 = arith.constant 2 : i32
        %dma_start3A_174 = arith.constant 0 : i32
        %dma_start3A_175 = arith.constant 0 : i32
        %dma_start3A_176 = tpu.memref_slice %arg8[%and3A_106, %dma_start3A_174, %dma_start3A_175] : memref<2x128x128xf32, #tpu.memory_space<vmem>> -> memref<1x128x128xf32, #tpu.memory_space<vmem>>
        %dma_start3A_177 = tpu.memref_squeeze %dma_start3A_176 : memref<1x128x128xf32, #tpu.memory_space<vmem>> -> memref<128x128xf32, #tpu.memory_space<vmem>>
        %dma_start3A_178 = arith.constant 0 : i32
        %dma_start3A_179 = tpu.memref_slice %arg6[%dma_start3A_173, %add3A_159, %dma_start3A_178] : memref<3x4x128xi32, #tpu.memory_space<vmem>> -> memref<1x1x128xi32, #tpu.memory_space<vmem>>
        %dma_start3A_180 = tpu.memref_squeeze %dma_start3A_179 : memref<1x1x128xi32, #tpu.memory_space<vmem>> -> memref<128xi32, #tpu.memory_space<vmem>>
        %dma_start3A_181 = arith.constant 0 : i32
        %dma_start3A_182 = arith.constant 0 : i32
        %dma_start3A_183 = tpu.memref_slice %arg3[%dma_start3A_181, %dma_start3A_182] : memref<100000x128xf32, #tpu.memory_space<hbm>> -> memref<100000x128xf32, #tpu.memory_space<hbm>>
        %dma_start3A_184 = tpu.memref_slice %arg12[%and3A_106] : memref<2x!tpu.dma_semaphore, #tpu.memory_space<semaphore_mem>> -> memref<1x!tpu.dma_semaphore, #tpu.memory_space<semaphore_mem>>
        %dma_start3A_185 = tpu.memref_squeeze %dma_start3A_184 : memref<1x!tpu.dma_semaphore, #tpu.memory_space<semaphore_mem>> -> memref<!tpu.dma_semaphore, #tpu.memory_space<semaphore_mem>>
        tpu.enqueue_indirect_dma source(%dma_start3A_183 : memref<100000x128xf32, #tpu.memory_space<hbm>>) target(%dma_start3A_177 : memref<128x128xf32, #tpu.memory_space<vmem>>) offsets(%dma_start3A_180 : memref<128xi32, #tpu.memory_space<vmem>>) semaphore(%dma_start3A_185 : memref<!tpu.dma_semaphore, #tpu.memory_space<semaphore_mem>>)
        %dma_start3A_186 = arith.constant 0 : i32
        %dma_start3A_187 = arith.constant 0 : i32
        %dma_start3A_188 = arith.constant 0 : i32
        %dma_start3A_189 = tpu.memref_slice %arg9[%and3A_106, %dma_start3A_187, %dma_start3A_188] : memref<2x128x128xf32, #tpu.memory_space<vmem>> -> memref<1x128x128xf32, #tpu.memory_space<vmem>>
        %dma_start3A_190 = tpu.memref_squeeze %dma_start3A_189 : memref<1x128x128xf32, #tpu.memory_space<vmem>> -> memref<128x128xf32, #tpu.memory_space<vmem>>
        %dma_start3A_191 = arith.constant 0 : i32
        %dma_start3A_192 = tpu.memref_slice %arg6[%dma_start3A_186, %add3A_159, %dma_start3A_191] : memref<3x4x128xi32, #tpu.memory_space<vmem>> -> memref<1x1x128xi32, #tpu.memory_space<vmem>>
        %dma_start3A_193 = tpu.memref_squeeze %dma_start3A_192 : memref<1x1x128xi32, #tpu.memory_space<vmem>> -> memref<128xi32, #tpu.memory_space<vmem>>
        %dma_start3A_194 = arith.constant 0 : i32
        %dma_start3A_195 = arith.constant 0 : i32
        %dma_start3A_196 = tpu.memref_slice %arg4[%dma_start3A_194, %dma_start3A_195] : memref<100000x128xf32, #tpu.memory_space<hbm>> -> memref<100000x128xf32, #tpu.memory_space<hbm>>
        %dma_start3A_197 = tpu.memref_slice %arg13[%and3A_106] : memref<2x!tpu.dma_semaphore, #tpu.memory_space<semaphore_mem>> -> memref<1x!tpu.dma_semaphore, #tpu.memory_space<semaphore_mem>>
        %dma_start3A_198 = tpu.memref_squeeze %dma_start3A_197 : memref<1x!tpu.dma_semaphore, #tpu.memory_space<semaphore_mem>> -> memref<!tpu.dma_semaphore, #tpu.memory_space<semaphore_mem>>
        tpu.enqueue_indirect_dma source(%dma_start3A_196 : memref<100000x128xf32, #tpu.memory_space<hbm>>) target(%dma_start3A_190 : memref<128x128xf32, #tpu.memory_space<vmem>>) offsets(%dma_start3A_193 : memref<128xi32, #tpu.memory_space<vmem>>) semaphore(%dma_start3A_198 : memref<!tpu.dma_semaphore, #tpu.memory_space<semaphore_mem>>)
      } else {
      }
      %scan3A_157 = arith.constant 0 : i32
      scf.yield %scan3A_157 : i32
    }
    %scan3A_103 = arith.constant 4 : i32
    "tpu.region"() ({
      %run_scoped3A = tpu.sem_alloc : memref<!tpu.dma_semaphore, #tpu.memory_space<semaphore_mem>>
      %dma_start3A_104 = tpu.memref_slice %arg5[%mul3A_2] : memref<16384xf32, #tpu.memory_space<hbm>> -> memref<512xf32, #tpu.memory_space<hbm>>
      %dma_start3A_105 = tpu.memref_slice %arg5[%mul3A_2] : memref<16384xf32, #tpu.memory_space<hbm>> -> memref<512xf32, #tpu.memory_space<hbm>>
      tpu.enqueue_dma source(%arg10 : memref<512xf32, #tpu.memory_space<vmem>>) target(%dma_start3A_105 : memref<512xf32, #tpu.memory_space<hbm>>) target_semaphore(%run_scoped3A : memref<!tpu.dma_semaphore, #tpu.memory_space<semaphore_mem>>)
      %dma_wait3A = tpu.memref_slice %arg5[%mul3A_2] : memref<16384xf32, #tpu.memory_space<hbm>> -> memref<512xf32, #tpu.memory_space<hbm>>
      %dma_wait3A_106 = tpu.memref_slice %arg5[%mul3A_2] : memref<16384xf32, #tpu.memory_space<hbm>> -> memref<512xf32, #tpu.memory_space<hbm>>
      tpu.wait_dma2 semaphore(%run_scoped3A : memref<!tpu.dma_semaphore, #tpu.memory_space<semaphore_mem>>) src(%arg10 : memref<512xf32, #tpu.memory_space<vmem>>) dst(%dma_wait3A_106 : memref<512xf32, #tpu.memory_space<hbm>>)
      tpu.yield
    }) : () -> ()
    return
  }
}

</mosaic_0001>

<sc_bundles>
// kernel: kernel.3.cloned.1.call-start
scs
__scs_entry_jumppad:
0x0: {  	(pc) =	sbr.rel $0x88, $3  }
0x1: {  	(tag) =	ssettag $0x0;
	lr =	simm.s32 $0x1  }
0x2: {  	[smem:$0x3F9E] =	sst lr;
	_ =	strace $0xD0000000  }
0x3: {  	_ = 	snop  }
0x4: {  	_ = 	snop  }
0x5: {  	_ = 	snop  }
0x6: {  	_ = 	snop  }
0x7: {  	_ = 	snop  }
__scs_overlays_trampoline_lowered:
0x8: {  	[smem:$0x3FAD] =	sst s0  }
0x9: {  	[smem:$0x3FAE] =	sst s1  }
0xa: {  	[smem:$0x3FAF] =	sst s2  }
0xb: {  	[smem:$0x3FB0] =	sst s3  }
0xc: {  	[smem:$0x3FB1] =	sst s4  }
0xd: {  	[smem:$0x3FB2] =	sst s5  }
0xe: {  	[smem:$0x3FB3] =	sst s6  }
0xf: {  	[smem:$0x3FB4] =	sst s7  }
0x10: {  	[smem:$0x3FB5] =	sst s8  }
0x11: {  	[smem:$0x3FB6] =	sst s9;
	s0 =	simm.s32 @!p0 $0x0  }
0x12: {  	s1 =	sld [smem:$0x3F9C];
	s0 =	simm.s32 @p0 $0x1  }
0x13: {  	[smem:$0x3FB7] =	sst s0;
	s0 =	simm.s32 @!p1 $0x0  }
0x14: {  	s2 =	sld [smem:$0x3F9B];
	s0 =	simm.s32 @p1 $0x1  }
0x15: {  	[smem:$0x3FB8] =	sst s0;
	s0 =	simm.s32 @!p2 $0x0  }
0x16: {  	s3 =	sld [smem:$0x3FDB];
	s0 =	simm.s32 @p2 $0x1  }
0x17: {  	s4 =	simm.s32 $0x1BF5;
	[smem:$0x3FBA] =	sst s0  }
0x18: {  	s0 =	sld [smem:$0x3F9D];
	_ =	swait.ge [sflag:s4], $0x0  }
0x19: {  	s7 =	sld [smem:$0x3F9E]  }
0x1a: {  	s8 =	sadd.s32 $0xFFFFE003, lr  }
0x1b: {  	s9 =	sadd.s32 $0xFFFFFEF7, lr;
	s5 =	simm.s32 $0xFFFFFFFF;
	p2 =	slt.u32 s8, $0xFFFFF086  }
0x1c: {  	p1 =	slt.u32 s9, $0xF7A;
	s5 =	simm.s32 @!p2 $0x0  }
0x1d: {  	s5 =	simm.s32 @p1 $0x1;
	p0 =	seq.s32 s7, s2  }
0x1e: {  	s7 =	smul.u32 @!p0 $0xF7A, s2;
	p2 =	seq.s32 @!p0 s5, $0x0  }
0x1f: {  	s9 =	smul.u32 $0xF7A, s1;
	s8 =	simm.s32 @!p0 $0x1BF5;
	p2 =	por !p2, p0  }
0x20: {  	[sflag:s8] =	ssyncset.s32 @!p0 $0xFFFFF086;
	s6 =	sadd.s32 @!p0 s3, s7;
	s7 =	simm.s32 @!p0 $0x108  }
0x21: {  	s3 =	sadd.s32 s3, s9;
	s6 =	sadd.s32 @!p0 $0x88, s6;
	s7 =	simm.s32 @p2 $0x1082  }
0x22: {  	[simem:s7], [sflag:s8] =	dma.local @!p0 [hbm:s6], $0xF7A  }
0x23: {  	s9 =	sor.u32 $0xD0000000, s2;
	s6 =	simm.s32 $0x108;
	_ =	swait.ge @!p0 [sflag:s8], $0x0  }
0x24: {  	s3 =	sadd.s32 $0x88, s3;
	s6 =	simm.s32 @!p1 $0x1082;
	[sflag:s4] =	ssyncset.s32 $0xFFFFF086  }
0x25: {  	[simem:s6], [sflag:s4] =	dma.local [hbm:s3], $0xF7A  }
0x26: {  	[smem:$0x3F9E] =	sst s1;
	(tag) =	ssettag s2;
	_ =	strace s9  }
0x27: {  	s1 =	sld [smem:$0x3FAE]  }
0x28: {  	s2 =	sld [smem:$0x3FAF]  }
0x29: {  	s4 =	sld [smem:$0x3FB1]  }
0x2a: {  	p0 =	seq.s32 s5, $0x0;
	s5 =	sld [smem:$0x3FB2]  }
0x2b: {  	s6 =	sld [smem:$0x3FB3]  }
0x2c: {  	s7 =	sld [smem:$0x3FB4]  }
0x2d: {  	s3 =	simm.s32 $0x108;
	s8 =	sld [smem:$0x3FB5]  }
0x2e: {  	s3 =	simm.s32 @!p0 $0x1082;
	s9 =	sld [smem:$0x3FB6]  }
0x2f: {  	lr =	sadd.s32 s0, s3;
	s0 =	sld [smem:$0x3FAD]  }
0x30: {  	s3 =	sld [smem:$0x3FB0]  }
0x31: {  	[smem:$0x3FB9] =	sst s10  }
0x32: {  	s10 =	sld [smem:$0x3FB7];
	_ =	sdelay $0x3  }
0x33: {  	p0 =	seq.s32 s10, $0x1;
	s10 =	sld [smem:$0x3FB9];
	_ =	sdelay $0x3  }
0x34: {  	[smem:$0x3FB9] =	sst s10  }
0x35: {  	s10 =	sld [smem:$0x3FB8];
	_ =	sdelay $0x3  }
0x36: {  	p1 =	seq.s32 s10, $0x1;
	s10 =	sld [smem:$0x3FB9];
	_ =	sdelay $0x3  }
0x37: {  	[smem:$0x3FB9] =	sst s10  }
0x38: {  	s10 =	sld [smem:$0x3FBA]  }
0x39: {  	_ = 	snop;
	(pc) =	sbr.ind lr, $3  }
0x3a: {  	_ = 	snop  }
0x3b: {  	_ = 	snop  }
0x3c: {  	p2 =	seq.s32 s10, $0x1;
	s10 =	sld [smem:$0x3FB9]  }
0x3d: {  	_ =	shalt  }
0x3e: {  	_ =	shalt  }
0x3f: {  	_ =	shalt  }
0x40: {  	_ =	shalt  }
0x41: {  	_ =	shalt  }
0x42: {  	_ =	shalt  }
0x43: {  	_ =	shalt  }
0x44: {  	_ =	shalt  }
0x45: {  	_ =	shalt  }
0x46: {  	_ =	shalt  }
0x47: {  	_ =	shalt  }
0x48: {  	_ =	shalt  }
0x49: {  	_ =	shalt  }
0x4a: {  	_ =	shalt  }
0x4b: {  	_ =	shalt  }
0x4c: {  	_ =	shalt  }
0x4d: {  	_ =	shalt  }
0x4e: {  	_ =	shalt  }
0x4f: {  	_ =	shalt  }
0x50: {  	_ =	shalt  }
0x51: {  	_ =	shalt  }
0x52: {  	_ =	shalt  }
0x53: {  	_ =	shalt  }
0x54: {  	_ =	shalt  }
0x55: {  	_ =	shalt  }
0x56: {  	_ =	shalt  }
0x57: {  	_ =	shalt  }
0x58: {  	_ =	shalt  }
0x59: {  	_ =	shalt  }
0x5a: {  	_ =	shalt  }
0x5b: {  	_ =	shalt  }
0x5c: {  	_ =	shalt  }
0x5d: {  	_ =	shalt  }
0x5e: {  	_ =	shalt  }
0x5f: {  	_ =	shalt  }
0x60: {  	_ =	shalt  }
0x61: {  	_ =	shalt  }
0x62: {  	_ =	shalt  }
0x63: {  	_ =	shalt  }
0x64: {  	_ =	shalt  }
0x65: {  	_ =	shalt  }
0x66: {  	_ =	shalt  }
0x67: {  	_ =	shalt  }
0x68: {  	_ =	shalt  }
0x69: {  	_ =	shalt  }
0x6a: {  	_ =	shalt  }
0x6b: {  	_ =	shalt  }
0x6c: {  	_ =	shalt  }
0x6d: {  	_ =	shalt  }
0x6e: {  	_ =	shalt  }
0x6f: {  	_ =	shalt  }
0x70: {  	_ =	shalt  }
0x71: {  	_ =	shalt  }
0x72: {  	_ =	shalt  }
0x73: {  	_ =	shalt  }
0x74: {  	_ =	shalt  }
0x75: {  	_ =	shalt  }
0x76: {  	_ =	shalt  }
0x77: {  	_ =	shalt  }
0x78: {  	_ =	shalt  }
0x79: {  	_ =	shalt  }
0x7a: {  	_ =	shalt  }
0x7b: {  	_ =	shalt  }
0x7c: {  	_ =	shalt  }
0x7d: {  	_ =	shalt  }
0x7e: {  	_ =	shalt  }
0x7f: {  	_ =	shalt  }
0x80: {  	_ =	shalt  }
0x81: {  	_ =	shalt  }
0x82: {  	_ =	shalt  }
0x83: {  	_ =	shalt  }
0x84: {  	_ =	shalt  }
0x85: {  	_ =	shalt  }
0x86: {  	_ =	shalt  }
0x87: {  	_ =	shalt  }
.Lfunc_end0:
.L_simem_size_0:
called_computation_lowered:
.L_overlay_start_0:
0x88: {  	s2 =	sld [smem:$0x3FD9]  }
0x89: {  	s3 =	sld [smem:$0x3FFE];
	_ =	sdelay $0x1  }
0x8a: {  	s1 =	srdreg.scid  }
0x8b: {  	s0 =	sand.u32 $0x1, s1  }
0x8c: {  	s17 =	sshll.u32 s0, $0xA;
	s2 =	sadd.s32 s3, s2  }
0x8d: {  	s2 =	sadd.s32 s2, s17  }
0x8e: {  	[smem:$0x3FC5] =	sst s2  }
0x8f: {  	_ = 	snop  }
0x90: {  	s2 =	sld [smem:$0x3FC8]  }
0x91: {  	s18 =	sld [smem:$0x3FC7]  }
0x92: {  	s4 =	sld [smem:$0x3FD0];
	(tm) =	ssettm $0x1  }
0x93: {  	s5 =	sld [smem:$0x3FFB];
	_ =	sdelay $0x3  }
0x94: {  	_ =	strace s5  }
0x95: {  	s5 =	sld [smem:$0x3FFC];
	_ =	sdelay $0x3  }
0x96: {  	_ =	strace s5  }
0x97: {  	s5 =	sld [smem:$0x3FFD];
	_ =	sdelay $0x3  }
0x98: {  	_ =	strace s5  }
0x99: {  	_ =	strace $0x8FFFFFFF  }
0x9a: {  	s19 =	sld [smem:$0x3FDB];
	_ =	sdelay $0x1  }
0x9b: {  	s6 =	simm.s32 $_scs_section_size  }
0x9c: {  	s7 =	simm.s32 $_size__tile_overlayer_lowered;
	s8 =	simm.s32 $_tile_overlayer_lowered  }
0x9d: {  	s22 =	simm.s32 $0x1BFF;
	s21 =	sshll.u32 s8, $0x1;
	s5 =	sadd.s32 s6, s19  }
0x9e: {  	s9 =	simm.s32 $0x0;
	s20 =	sshll.u32 s7, $0x1;
	s7 =	sadd.s32 s21, s5  }
0x9f: {  	[timem:s9], [sflag:s22] =	dma.local [hbm:s7], s20  }
0xa0: {  	_ =	swait.ge [sflag:s22], s20  }
0xa1: {  	s6 =	ssub.s32 $0x0, s20;
	[sflag:s22] =	ssyncset.done $0x0  }
0xa2: {  	[sflag:s22] =	ssyncadd.s32 s6;
	_ =	sdelay $0x1  }
0xa3: {  	s23 =	simm.s32 $0x1B8B  }
0xa4: {  	_ =	swait.ge [sflag:s23], $0x1  }
0xa5: {  	[sflag:s23] =	ssyncset.done $0x0  }
0xa6: {  	s25 =	simm.s32 $0x1B8E;
	s24 =	sld [smem:$0x3FFE];
	[sflag:s23] =	ssyncadd.s32 $0xFFFFFFFF  }
0xa7: {  	s26 =	simm.s32 $execute0_lowered;
	[smem:$0x3FD2] =	sst s25  }
0xa8: {  	s7 =	sshll.u32 s26, $0x1;
	_ =	strace $0x80000046;
	[dreg:$0x1] =	wrdreg $0xFFFFFFFF  }
0xa9: {  	s28 =	simm.s32 $_size_execute0_lowered;
	s5 =	sadd.s32 s5, s7;
	[dreg:$0x0] =	wrdreg $0x0  }
0xaa: {  	s7 =	sshll.u32 s28, $0x1;
	[dreg:$0x2] =	wrdreg s5  }
0xab: {  	[dreg:$0x3] =	wrdreg s7  }
0xac: {  	[dreg:$0x4] =	wrdreg $0xC0  }
0xad: {  	_ =	task [dreg:s9], $0x5FFFF  }
0xae: {  	[dreg:$0x1] =	wrdreg $0xFFFFFFFF  }
0xaf: {  	[dreg:$0x0] =	wrdreg $0x60  }
0xb0: {  	[dreg:$0x2] =	wrdreg s24  }
0xb1: {  	[dreg:$0x3] =	wrdreg s2  }
0xb2: {  	[dreg:$0x4] =	wrdreg s18  }
0xb3: {  	[dreg:$0x5] =	wrdreg s4  }
0xb4: {  	[dreg:$0x6] =	wrdreg $0x9  }
0xb5: {  	_ =	task.clear_ibuf [dreg:s9], $0x7FFFF;
	_ =	strace $0x90000046  }
0xb6: {  	s29 =	simm.s32 $0x9;
	_ =	strace $0x80000048  }
0xb7: {  	_ =	swait.ge [sflag:s29], $0x1  }
0xb8: {  	[sflag:s29] =	ssyncadd.s32 $0xFFFFFFFF  }
0xb9: {  	_ =	strace $0x90000048  }
0xba: {  	_ =	sfence  }
0xbb: {  	s30 =	sld [smem:$0x0];
	_ =	sdelay $0x2  }
0xbc: {  	s31 =	sshll.u32 s1, $0xD;
	s1 =	sshrl.u32 s1, $0x2  }
0xbd: {  	s3 =	sand.u32 $0x4000, s31;
	s1 =	sadd.s32 s1, s30  }
0xbe: {  	s0 =	sor.u32 s3, s0;
	s1 =	sshll.u32 s1, $0x11  }
0xbf: {  	s0 =	sor.u32 s1, s0  }
0xc0: {  	s0 =	sadd.s32 $0x8F2B, s0  }
0xc1: {  	[sflag:s0] =	ssyncadd.remote.s32 $0x1  }
0xc2: {  	_ =	sfence.sel $0xFFFF  }
0xc3: {  	[dreg:$0x0] =	wrdreg $0xFFFFFFFF;
	(pc) =	sbr.abs _section_cstart, $3  }
0xc4: {  	[dreg:$0x1] =	wrdreg $0xFFFFFFFF  }
0xc5: {  	_ =	task.clear_ibuf [dreg:s9], $0x2FFFF;
	_ =	strace $0x9FFFFFFF  }
0xc6: {  	(tm) =	ssettm $0x7FFFFFFF  }
0xc7: {  	_ =	shalt  }
tec
execute0_lowered:
.L_overlay_start_1:
0x0: {  	(tag) =	ssettag $0x1  }
0x1: {  	s5 =	rddreg [dreg:$0x0]  }
0x2: {  	s1 =	rddreg [dreg:$0x1]  }
0x3: {  	s3 =	rddreg [dreg:$0x2];
	s2 =	srdreg.scid  }
0x4: {  	s0 =	stileid.u32;
	s6 =	rddreg [dreg:$0x3];
	s4 =	simm.s32 $0x0  }
0x5: {  	s11 =	simm.s32 $0x600;
	s12 =	simm.s32 $0x400;
	s13 =	simm.s32 $0x8600  }
0x6: {  	s14 =	simm.s32 $0x10600;
	s15 =	simm.s32 $0x280;
	s16 =	simm.s32 $0x4600  }
0x7: {  	s17 =	simm.s32 $0x480;
	s18 =	simm.s32 $0xC600;
	s19 =	simm.s32 $0x14600  }
0x8: {  	s20 =	simm.s32 $0x18600;
	s7 =	sand.u32 $0x1, s2;
	s8 =	sshll.u32 s0, $0x1  }
0x9: {  	s21 =	simm.s32 $0x0;
	s8 =	sor.u32 s7, s8;
	s7 =	ssub.s32 $0x2, s7  }
0xa: {  	[smem:$0x7FF] =	sst s4;
	s9 =	smul.u32 $0xC0, s8;
	s31 =	sshrl.u32 s7, $0x1  }
0xb: {  	_ =	strace $0x80000047;
	s8 =	sshll.u32 s8, $0x6;
	s7 =	ssub.s32 s7, s31  }
0xc: {  	v0 =	vlaneseq.u32;
	s6 =	sadd.s32 s6, s8;
	s8 =	simm.s32 $0x7;
	s5 =	sadd.s32 s9, s5  }
0xd: {  	v1 =	vmul.u32 $0x80, v0;
	s7 =	smax.u32 s7, $0x1;
	s9 =	simm.s32 $0x80;
	s5 =	sadd.s32 $0x400, s5  }
.LBB2_1:
0xe: {  	[tilespmem:s4], [sflag:$0x7] =	stream.linear.gather [hbm4b:s5+s4], $0x600, $0x38;
	[tilespmem:$0x18800] =	vst v63  }
0xf: {  	_ =	swait.ge [sflag:s8], $0x600  }
0x10: {  	[sflag:s8] =	ssyncset.done $0x0  }
0x11: {  	s0 =	simm.s32 $0x200;
	[sflag:s8] =	ssyncadd.s32 $0xFFFFFA00  }
0x12: {  	[tilespmem:s11], [sflag:$0x1] =	stream.indirect.gather [hbm4b:s1+s9], $0x80, s0, s9, $0xb8;
	[tilespmem:$0x18800] =	vst v63  }
0x13: {  	_ = 	snop  }
0x14: {  	[tilespmem:s13], [sflag:$0x3] =	stream.indirect.gather [hbm4b:s1+s9], $0x80, s12, s9, $0xb8;
	[tilespmem:$0x18800] =	vst v63  }
0x15: {  	_ = 	snop  }
0x16: {  	[tilespmem:s14], [sflag:$0x5] =	stream.indirect.gather [hbm4b:s3+s9], $0x80, s4, s9, $0xb8;
	[tilespmem:$0x18800] =	vst v63  }
0x17: {  	_ = 	snop  }
0x18: {  	[tilespmem:s16], [sflag:$0x2] =	stream.indirect.gather [hbm4b:s1+s9], $0x80, s15, s9, $0xb8;
	[tilespmem:$0x18800] =	vst v63  }
0x19: {  	_ = 	snop  }
0x1a: {  	[tilespmem:s18], [sflag:$0x4] =	stream.indirect.gather [hbm4b:s1+s9], $0x80, s17, s9, $0xb8;
	[tilespmem:$0x18800] =	vst v63  }
0x1b: {  	s22 =	simm.s32 $0x0  }
0x1c: {  	[tilespmem:s19], [sflag:$0x6] =	stream.indirect.gather [hbm4b:s3+s9], $0x80, s9, s9, $0xb8;
	[tilespmem:$0x18800] =	vst v63  }
.LBB2_2:
0x1d: {  	s28 =	sand.u32 $0x1, s22  }
0x1e: {  	s23 =	sadd.s32 $0x1, s28  }
0x1f: {  	_ =	swait.ge [sflag:s23], $0x4000  }
0x20: {  	[sflag:s23] =	ssyncset.done $0x0  }
0x21: {  	s24 =	sadd.s32 $0x3, s28;
	[sflag:s23] =	ssyncadd.s32 $0xFFFFC000  }
0x22: {  	_ =	swait.ge [sflag:s24], $0x4000  }
0x23: {  	[sflag:s24] =	ssyncset.done $0x0  }
0x24: {  	s26 =	sshll.u32 s22, $0x9;
	s25 =	sadd.s32 $0x5, s28;
	[sflag:s24] =	ssyncadd.s32 $0xFFFFC000  }
0x25: {  	s29 =	sshrl.u32 s26, $0x2;
	_ =	swait.ge [sflag:s25], $0x4000  }
0x26: {  	s28 =	sshll.u32 s28, $0xE;
	s29 =	sadd.s32 $0x18600, s29;
	[sflag:s25] =	ssyncset.done $0x0  }
0x27: {  	v2 =	vmov s28;
	s28 =	simm.s32 $0x0;
	v3 =	vmov s29;
	[sflag:s25] =	ssyncadd.s32 $0xFFFFC000  }
.LBB2_3:
0x28: {  	s29 =	sshll.u32 s28, $0x4  }
0x29: {  	v4 =	vmov s29  }
0x2a: {  	s31 =	simm.s32 $0xC;
	v4 =	vshll.u32 v4, $0x7  }
0x2b: {  	v6 =	vadd.s32 s31, v0;
	v4 =	vor.u32 v1, v4  }
0x2c: {  	v6 =	vand.u32 $0x7F, v6;
	v4 =	vadd.s32 v2, v4  }
0x2d: {  	v10 =	vor.u32 v4, v6  }
0x2e: {  	s30 =	simm.s32 $0x0;
	v5 =	vor.u32 v0, v4  }
0x2f: {  	v7 =	vor.u32 s30, v5  }
0x30: {  	s30 =	simm.s32 $0x8  }
0x31: {  	v8 =	vadd.s32 s30, v0  }
0x32: {  	v8 =	vand.u32 $0x7F, v8;
	v16 =	vld.idx.msk [tilespmem:v10+s11+$0x0], $0xffff  }
0x33: {  	s30 =	simm.s32 $0x4;
	v13 =	vor.u32 v4, v8;
	v17 =	vld.idx.msk [tilespmem:v10+s13+$0x0], $0xffff  }
0x34: {  	v8 =	vadd.s32 s30, v0;
	v6 =	vld.idx.msk [tilespmem:v7+s14+$0x0], $0xffff  }
0x35: {  	v8 =	vand.u32 $0x7F, v8;
	v9 =	vld.idx.msk [tilespmem:v7+s11+$0x0], $0xffff  }
0x36: {  	s30 =	simm.s32 $0xF;
	v14 =	vor.u32 v4, v8;
	v11 =	vld.idx.msk [tilespmem:v7+s13+$0x0], $0xffff  }
0x37: {  	v12 =	vadd.s32 s30, v0;
	v7 =	vld.idx.msk [tilespmem:v10+s14+$0x0], $0xffff  }
0x38: {  	v10 =	vand.u32 $0x7F, v12;
	v8 =	vld.idx.msk [tilespmem:v13+s14+$0x0], $0xffff  }
0x39: {  	s30 =	simm.s32 $0xB;
	v10 =	vor.u32 v4, v10;
	v20 =	vld.idx.msk [tilespmem:v13+s11+$0x0], $0xffff  }
0x3a: {  	v15 =	vadd.s32 s30, v0;
	v22 =	vld.idx.msk [tilespmem:v13+s13+$0x0], $0xffff  }
0x3b: {  	v13 =	vand.u32 $0x7F, v15;
	v12 =	vld.idx.msk [tilespmem:v14+s14+$0x0], $0xffff  }
0x3c: {  	s31 =	simm.s32 $0x7;
	v13 =	vor.u32 v4, v13;
	v23 =	vld.idx.msk [tilespmem:v14+s11+$0x0], $0xffff  }
0x3d: {  	v18 =	vadd.s32 s31, v0;
	v26 =	vld.idx.msk [tilespmem:v14+s13+$0x0], $0xffff  }
0x3e: {  	v15 =	vand.u32 $0x7F, v18;
	v18 =	vld.idx.msk [tilespmem:v10+s14+$0x0], $0xffff  }
0x3f: {  	s30 =	simm.s32 $0x3;
	v14 =	vor.u32 v4, v15;
	v27 =	vld.idx.msk [tilespmem:v10+s11+$0x0], $0xffff  }
0x40: {  	v15 =	vadd.s32 s30, v0;
	v28 =	vld.idx.msk [tilespmem:v10+s13+$0x0], $0xffff  }
0x41: {  	v15 =	vand.u32 $0x7F, v15;
	v24 =	vld.idx.msk [tilespmem:v13+s14+$0x0], $0xffff  }
0x42: {  	s30 =	simm.s32 $0xE;
	v15 =	vor.u32 v4, v15;
	v30 =	vld.idx.msk [tilespmem:v13+s11+$0x0], $0xffff  }
0x43: {  	v10 =	vadd.s32 s30, v0;
	v31 =	vld.idx.msk [tilespmem:v13+s13+$0x0], $0xffff  }
0x44: {  	s30 =	simm.s32 $0xA;
	v10 =	vand.u32 $0x7F, v10;
	v21 =	vld.idx.msk [tilespmem:v14+s14+$0x0], $0xffff  }
0x45: {  	v19 =	vor.u32 v4, v10;
	v13 =	vadd.s32 s30, v0;
	v32 =	vld.idx.msk [tilespmem:v14+s11+$0x0], $0xffff  }
0x46: {  	s30 =	simm.s32 $0x2;
	v10 =	vand.u32 $0x7F, v13;
	v33 =	vld.idx.msk [tilespmem:v14+s13+$0x0], $0xffff  }
0x47: {  	v13 =	vadd.s32 s30, v0;
	v29 =	vor.u32 v4, v10;
	v25 =	vld.idx.msk [tilespmem:v15+s14+$0x0], $0xffff  }
0x48: {  	s30 =	simm.s32 $0x6;
	v10 =	vand.u32 $0x7F, v13;
	v35 =	vld.idx.msk [tilespmem:v15+s11+$0x0], $0xffff  }
0x49: {  	v13 =	vadd.s32 s30, v0;
	v47 =	vor.u32 v4, v10;
	v40 =	vld.idx.msk [tilespmem:v15+s13+$0x0], $0xffff  }
0x4a: {  	v10 =	vand.u32 $0x7F, v13;
	v36 =	vld.idx.msk [tilespmem:v19+s11+$0x0], $0xffff  }
0x4b: {  	s30 =	simm.s32 $0xD;
	v41 =	vor.u32 v4, v10;
	v38 =	vld.idx.msk [tilespmem:v19+s13+$0x0], $0xffff  }
0x4c: {  	s31 =	simm.s32 $0x9;
	v13 =	vadd.s32 s30, v0;
	v34 =	vld.idx.msk [tilespmem:v29+s11+$0x0], $0xffff  }
0x4d: {  	v14 =	vadd.s32 s31, v0;
	v13 =	vand.u32 $0x7F, v13;
	v39 =	vld.idx.msk [tilespmem:v29+s13+$0x0], $0xffff  }
0x4e: {  	s2 =	simm.s32 $0x1;
	v14 =	vand.u32 $0x7F, v14;
	v42 =	vor.u32 v4, v13;
	v37 =	vld.idx.msk [tilespmem:v47+s14+$0x0], $0xffff  }
0x4f: {  	v15 =	vadd.s32 s2, v0;
	v45 =	vor.u32 v4, v14;
	v46 =	vld.idx.msk [tilespmem:v47+s11+$0x0], $0xffff  }
0x50: {  	v14 =	vimm.f32 $0.0e+00;
	v10 =	vimm.f32 $0.0e+00;
	v15 =	vand.u32 $0x7F, v15;
	v43 =	vld.idx.msk [tilespmem:v41+s11+$0x0], $0xffff  }
0x51: {  	s31 =	simm.s32 $0x5;
	s30 =	simm.s32 $0x1F;
	v48 =	vor.u32 v4, v15;
	v13 =	vimm.f32 $0.0e+00;
	v15 =	vimm.f32 $0.0e+00;
	v44 =	vld.idx.msk [tilespmem:v41+s13+$0x0], $0xffff  }
.LBB2_4:
0x52: {  	p0 =	sne.s32 s30, $0x7F;
	v47 =	vld.idx.msk [tilespmem:v47+s13+$0x0], $0xffff;
	v49 =	vadd.s32 s31, v0  }
0x53: {  	v49 =	vand.u32 $0x7F, v49;
	v50 =	vld.idx.msk [tilespmem:v42+s11+$0x0], $0xffff  }
0x54: {  	s2 =	sadd.s32 $0xFFFFFFFD, s30;
	v49 =	vor.u32 v4, v49;
	v51 =	vld.idx.msk [tilespmem:v42+s13+$0x0], $0xffff  }
0x55: {  	s31 =	sadd.s32 $0xFFFFFFF1, s30;
	s0 =	sadd.s32 $0xFFFFFFF5, s30;
	s10 =	sadd.s32 $0xFFFFFFF9, s30;
	v52 =	vadd.s32 s2, v0;
	v53 =	vld.idx.msk [tilespmem:v45+s11+$0x0], $0xffff  }
0x56: {  	v54 =	vor.u32 s31, v5;
	v55 =	vadd.s32 s0, v0;
	v56 =	vadd.s32 s10, v0;
	v57 =	vld.idx.msk [tilespmem:v48+s14+$0x0], $0xffff  }
0x57: {  	v55 =	vand.u32 $0x7F, v55;
	v56 =	vand.u32 $0x7F, v56;
	v52 =	vand.u32 $0x7F, v52;
	v58 =	vld.idx.msk [tilespmem:v48+s11+$0x0], $0xffff  }
0x58: {  	v9 =	vsub.f32 v9, v11;
	v16 =	vsub.f32 v16, v17;
	v52 =	vor.u32 v4, v52;
	v11 =	vld.idx.msk [tilespmem:v48+s13+$0x0], $0xffff  }
0x59: {  	v20 =	vsub.f32 v20, v22;
	v48 =	vor.u32 v4, v55;
	v55 =	vor.u32 v4, v56;
	v17 =	vld.idx.msk [tilespmem:v49+s11+$0x0], $0xffff  }
0x5a: {  	v9 =	vmul.f32 v6, v9;
	v6 =	vsub.f32 v23, v26;
	v23 =	vmul.f32 v7, v16;
	v22 =	vld.idx.msk [tilespmem:v49+s13+$0x0], $0xffff  }
0x5b: {  	v16 =	vmul.f32 v8, v20;
	v8 =	vsub.f32 v30, v31;
	v20 =	vsub.f32 v27, v28;
	v7 =	vld.idx.msk [tilespmem:v45+s13+$0x0], $0xffff  }
0x5c: {  	v26 =	vadd.s32 s30, v0;
	v12 =	vmul.f32 v12, v6;
	v6 =	vsub.f32 v32, v33;
	v27 =	vld.idx.msk [tilespmem:v49+s14+$0x0], $0xffff  }
0x5d: {  	v28 =	vsub.f32 v35, v40;
	v24 =	vmul.f32 v24, v8;
	v18 =	vmul.f32 v18, v20;
	v30 =	vld.idx.msk [tilespmem:v41+s14+$0x0], $0xffff  }
0x5e: {  	v31 =	vsub.f32 v36, v38;
	v20 =	vmul.f32 v21, v6;
	v8 =	vsub.f32 v58, v11;
	v21 =	vld.idx.msk [tilespmem:v45+s14+$0x0], $0xffff  }
0x5f: {  	v6 =	vsub.f32 v46, v47;
	v11 =	vmul.f32 v25, v28;
	v28 =	vsub.f32 v34, v39;
	v25 =	vld.idx.msk [tilespmem:v29+s14+$0x0], $0xffff  }
0x60: {  	v8 =	vmul.f32 v57, v8;
	v17 =	vsub.f32 v17, v22;
	v22 =	vsub.f32 v43, v44;
	v29 =	vld.idx.msk [tilespmem:v42+s14+$0x0], $0xffff  }
0x61: {  	v33 =	vsub.f32 v50, v51;
	v32 =	vmul.f32 v37, v6;
	v7 =	vsub.f32 v53, v7;
	v19 =	vld.idx.msk [tilespmem:v19+s14+$0x0], $0xffff  }
0x62: {  	v10 =	vadd.f32 v9, v10;
	v8 =	vadd.f32 v8, v13;
	v13 =	vmul.f32 v27, v17;
	v6 =	vld.idx.msk [tilespmem:v54+s14+$0x0], $0xffff  }
0x63: {  	v14 =	vadd.f32 v32, v14;
	v15 =	vadd.f32 v11, v15;
	v17 =	vmul.f32 v30, v22;
	v9 =	vld.idx.msk [tilespmem:v54+s11+$0x0], $0xffff  }
0x64: {  	v10 =	vadd.f32 v12, v10;
	v12 =	vadd.f32 v13, v8;
	v13 =	vmul.f32 v21, v7;
	v11 =	vld.idx.msk [tilespmem:v54+s13+$0x0], $0xffff  }
0x65: {  	v15 =	vadd.f32 v20, v15;
	v14 =	vadd.f32 v17, v14;
	v17 =	vmul.f32 v25, v28;
	v7 =	vld.idx.msk [tilespmem:v52+s14+$0x0], $0xffff  }
0x66: {  	v10 =	vadd.f32 v16, v10;
	v12 =	vadd.f32 v13, v12;
	v13 =	vmul.f32 v29, v33;
	v8 =	vld.idx.msk [tilespmem:v55+s14+$0x0], $0xffff  }
0x67: {  	v15 =	vadd.f32 v24, v15;
	v14 =	vadd.f32 v17, v14;
	v19 =	vmul.f32 v19, v31;
	v16 =	vld.idx.msk [tilespmem:v52+s11+$0x0], $0xffff  }
0x68: {  	v10 =	vadd.f32 v23, v10;
	v20 =	vand.u32 $0x7F, v26;
	v13 =	vadd.f32 v13, v12;
	v17 =	vld.idx.msk [tilespmem:v52+s13+$0x0], $0xffff  }
0x69: {  	s0 =	sadd.s32 $0xFFFFFFFC, s30;
	v21 =	vor.u32 v4, v20;
	v15 =	vadd.f32 v18, v15;
	v14 =	vadd.f32 v19, v14;
	v12 =	vld.idx.msk [tilespmem:v48+s14+$0x0], $0xffff  }
0x6a: {  	s2 =	sadd.s32 $0xFFFFFFF8, s30;
	v18 =	vadd.s32 s0, v0;
	v20 =	vld.idx.msk [tilespmem:v55+s11+$0x0], $0xffff  }
0x6b: {  	v18 =	vand.u32 $0x7F, v18;
	v19 =	vadd.s32 s2, v0;
	v22 =	vld.idx.msk [tilespmem:v55+s13+$0x0], $0xffff  }
0x6c: {  	v25 =	vor.u32 v4, v18;
	v19 =	vand.u32 $0x7F, v19;
	v23 =	vld.idx.msk [tilespmem:v48+s11+$0x0], $0xffff  }
0x6d: {  	s0 =	sadd.s32 $0xFFFFFFF4, s30;
	v29 =	vor.u32 v4, v19;
	v26 =	vld.idx.msk [tilespmem:v48+s13+$0x0], $0xffff  }
0x6e: {  	v19 =	vadd.s32 s0, v0;
	v18 =	vld.idx.msk [tilespmem:v21+s14+$0x0], $0xffff  }
0x6f: {  	v19 =	vand.u32 $0x7F, v19;
	v27 =	vld.idx.msk [tilespmem:v21+s11+$0x0], $0xffff  }
0x70: {  	v34 =	vor.u32 v4, v19;
	v28 =	vld.idx.msk [tilespmem:v21+s13+$0x0], $0xffff  }
0x71: {  	v24 =	vld.idx.msk [tilespmem:v25+s14+$0x0], $0xffff  }
0x72: {  	s0 =	sadd.s32 $0xFFFFFFFF, s30;
	v21 =	vld.idx.msk [tilespmem:v29+s14+$0x0], $0xffff  }
0x73: {  	v19 =	vadd.s32 s0, v0;
	v30 =	vld.idx.msk [tilespmem:v25+s11+$0x0], $0xffff  }
0x74: {  	s0 =	sadd.s32 $0xFFFFFFFB, s30;
	v19 =	vand.u32 $0x7F, v19;
	v31 =	vld.idx.msk [tilespmem:v25+s13+$0x0], $0xffff  }
0x75: {  	v33 =	vadd.s32 s0, v0;
	v19 =	vor.u32 v4, v19;
	v25 =	vld.idx.msk [tilespmem:v34+s14+$0x0], $0xffff  }
0x76: {  	s0 =	sadd.s32 $0xFFFFFFF3, s30;
	v35 =	vand.u32 $0x7F, v33;
	v32 =	vld.idx.msk [tilespmem:v29+s11+$0x0], $0xffff  }
0x77: {  	v36 =	vadd.s32 s0, v0;
	s0 =	sadd.s32 $0xFFFFFFF7, s30;
	v33 =	vld.idx.msk [tilespmem:v29+s13+$0x0], $0xffff;
	v29 =	vor.u32 v4, v35  }
0x78: {  	v36 =	vand.u32 $0x7F, v36;
	v37 =	vadd.s32 s0, v0;
	v35 =	vld.idx.msk [tilespmem:v34+s11+$0x0], $0xffff  }
0x79: {  	v47 =	vor.u32 v4, v36;
	v40 =	vld.idx.msk [tilespmem:v34+s13+$0x0], $0xffff;
	v34 =	vand.u32 $0x7F, v37  }
0x7a: {  	v41 =	vor.u32 v4, v34;
	v36 =	vld.idx.msk [tilespmem:v19+s11+$0x0], $0xffff  }
0x7b: {  	s0 =	sadd.s32 $0xFFFFFFFE, s30;
	v38 =	vld.idx.msk [tilespmem:v19+s13+$0x0], $0xffff  }
0x7c: {  	v37 =	vadd.s32 s0, v0;
	v34 =	vld.idx.msk [tilespmem:v29+s11+$0x0], $0xffff  }
.Ltmp0:
0x7d: {  	s0 =	sadd.s32 $0xFFFFFFFA, s30;
	v42 =	vand.u32 $0x7F, v37;
	v39 =	vld.idx.msk [tilespmem:v29+s13+$0x0], $0xffff;
	(pc) =	sbr.rel @p0 .LBB2_4-.Ltmp0, $4  }
0x7e: {  	s2 =	sadd.s32 $0xFFFFFFF2, s30;
	v44 =	vadd.s32 s0, v0;
	v42 =	vor.u32 v4, v42;
	v37 =	vld.idx.msk [tilespmem:v47+s14+$0x0], $0xffff  }
0x7f: {  	v45 =	vadd.s32 s2, v0;
	v46 =	vand.u32 $0x7F, v44;
	v43 =	vld.idx.msk [tilespmem:v41+s11+$0x0], $0xffff  }
0x80: {  	v48 =	vand.u32 $0x7F, v45;
	v45 =	vor.u32 v4, v46;
	v44 =	vld.idx.msk [tilespmem:v41+s13+$0x0], $0xffff  }
0x81: {  	s31 =	sadd.s32 $0xFFFFFFF6, s30;
	v48 =	vor.u32 v4, v48;
	s30 =	sadd.s32 $0x10, s30;
	v46 =	vld.idx.msk [tilespmem:v47+s11+$0x0], $0xffff  }
0x82: {  	_ =	sdelay $0x3  }
0x83: {  	v5 =	vld.idx.msk [tilespmem:v47+s13+$0x0], $0xffff  }
0x84: {  	v55 =	vadd.s32 s31, v0;
	v49 =	vld.idx.msk [tilespmem:v42+s11+$0x0], $0xffff  }
0x85: {  	v56 =	vld.idx.msk [tilespmem:v42+s13+$0x0], $0xffff;
	v47 =	vand.u32 $0x7F, v55  }
0x86: {  	v50 =	vld.idx.msk [tilespmem:v45+s11+$0x0], $0xffff;
	v4 =	vor.u32 v4, v47  }
0x87: {  	v51 =	vld.idx.msk [tilespmem:v48+s14+$0x0], $0xffff  }
0x88: {  	v52 =	vld.idx.msk [tilespmem:v48+s11+$0x0], $0xffff;
	v9 =	vsub.f32 v9, v11  }
0x89: {  	v57 =	vld.idx.msk [tilespmem:v48+s13+$0x0], $0xffff;
	v16 =	vsub.f32 v16, v17;
	v20 =	vsub.f32 v20, v22  }
0x8a: {  	v59 =	vsub.f32 v23, v26;
	v61 =	vsub.f32 v30, v31;
	v63 =	vld.idx.msk [tilespmem:v45+s13+$0x0], $0xffff  }
0x8b: {  	v62 =	vsub.f32 v27, v28;
	v35 =	vsub.f32 v35, v40;
	v6 =	vmul.f32 v6, v9;
	v58 =	vld.idx.msk [tilespmem:v4+s11+$0x0], $0xffff  }
0x8c: {  	v33 =	vsub.f32 v32, v33;
	v7 =	vmul.f32 v7, v16;
	v8 =	vmul.f32 v8, v20;
	v60 =	vld.idx.msk [tilespmem:v4+s13+$0x0], $0xffff  }
0x8d: {  	v40 =	vld.idx.msk [tilespmem:v41+s14+$0x0], $0xffff;
	v41 =	vsub.f32 v36, v38;
	v9 =	vmul.f32 v12, v59;
	v25 =	vmul.f32 v25, v35  }
0x8e: {  	v16 =	vmul.f32 v24, v61;
	v11 =	vsub.f32 v52, v57;
	v5 =	vsub.f32 v46, v5;
	v4 =	vld.idx.msk [tilespmem:v4+s14+$0x0], $0xffff  }
0x8f: {  	v48 =	vld.idx.msk [tilespmem:v29+s14+$0x0], $0xffff;
	v18 =	vmul.f32 v18, v62;
	v6 =	vadd.f32 v6, v10;
	v55 =	vadd.f32 v25, v15  }
0x90: {  	v45 =	vld.idx.msk [tilespmem:v45+s14+$0x0], $0xffff;
	v11 =	vmul.f32 v51, v11;
	v51 =	vsub.f32 v43, v44;
	v5 =	vmul.f32 v37, v5  }
0x91: {  	v19 =	vld.idx.msk [tilespmem:v19+s14+$0x0], $0xffff;
	v12 =	vmul.f32 v21, v33;
	v46 =	vsub.f32 v34, v39;
	v17 =	vsub.f32 v58, v60  }
0x92: {  	v52 =	vld.idx.msk [tilespmem:v42+s14+$0x0], $0xffff;
	v53 =	vsub.f32 v49, v56;
	v5 =	vadd.f32 v5, v14;
	v56 =	vmul.f32 v40, v51  }
0x93: {  	v20 =	vsub.f32 v50, v63;
	v54 =	vadd.f32 v11, v13;
	v4 =	vmul.f32 v4, v17  }
0x94: {  	v6 =	vadd.f32 v9, v6;
	v59 =	vmul.f32 v48, v46;
	v5 =	vadd.f32 v56, v5  }
0x95: {  	v57 =	vmul.f32 v45, v20;
	v58 =	vadd.f32 v12, v55;
	v4 =	vadd.f32 v4, v54  }
0x96: {  	v62 =	vmul.f32 v19, v41;
	v6 =	vadd.f32 v8, v6;
	v5 =	vadd.f32 v59, v5  }
0x97: {  	v60 =	vmul.f32 v52, v53;
	v61 =	vadd.f32 v16, v58;
	v4 =	vadd.f32 v57, v4  }
0x98: {  	v6 =	vadd.f32 v7, v6;
	v5 =	vadd.f32 v62, v5  }
0x99: {  	s28 =	sadd.s32 $0x1, s28;
	v63 =	vadd.f32 v18, v61;
	v4 =	vadd.f32 v60, v4  }
0x9a: {  	p0 =	sne.s32 s28, $0x8  }
.Ltmp1:
0x9b: {  	v5 =	vadd.f32 v63, v5;
	v4 =	vadd.f32 v4, v6;
	(pc) =	sbr.rel @p0 .LBB2_3-.Ltmp1, $3  }
0x9c: {  	_ = 	snop  }
0x9d: {  	v4 =	vadd.f32 v5, v4;
	_ =	sdelay $0x1  }
0x9e: {  	[tilespmem:v3+s29+$0x0 ss:$0x1] =	vst.idx.msk $0xffff, v4  }
0x9f: {  	p0 =	sgt.u32 s22, $0x1  }
0xa0: {  	s0 =	sshll.u32 @!p0 s22, $0xE;
	s2 =	sshrl.u32 @!p0 s26, $0x2  }
0xa1: {  	s28 =	simm.s32 @!p0 $0x80;
	s10 =	sor.u32 @!p0 $0x600, s0;
	s26 =	sadd.s32 @!p0 $0x300, s2  }
0xa2: {  	[tilespmem:s10], [sflag:s23] =	stream.indirect.gather @!p0 [hbm4b:s1+s28], $0x80, s26, s28, $0xb8;
	[tilespmem:$0x18800] =	vst v63  }
0xa3: {  	s10 =	sadd.s32 @!p0 $0x8600, s0;
	s23 =	sadd.s32 @!p0 $0x500, s2  }
0xa4: {  	[tilespmem:s10], [sflag:s24] =	stream.indirect.gather @!p0 [hbm4b:s1+s28], $0x80, s23, s28, $0xb8;
	[tilespmem:$0x18800] =	vst v63  }
0xa5: {  	s22 =	sadd.s32 $0x1, s22;
	s0 =	sadd.s32 @!p0 $0x10600, s0;
	s2 =	sadd.s32 @!p0 $0x100, s2  }
0xa6: {  	[tilespmem:s0], [sflag:s25] =	stream.indirect.gather @!p0 [hbm4b:s3+s28], $0x80, s2, s28, $0xb8;
	[tilespmem:$0x18800] =	vst v63  }
0xa7: {  	p0 =	sne.s32 s22, $0x4  }
.Ltmp2:
0xa8: {  	_ = 	snop;
	(pc) =	sbr.rel @p0 .LBB2_2-.Ltmp2, $1  }
0xa9: {  	_ =	sdelay $0x3  }
0xaa: {  	s21 =	sadd.s32 $0x1, s21  }
0xab: {  	p0 =	sne.s32 s21, s7  }
.Ltmp3:
0xac: {  	_ = 	snop;
	(pc) =	sbr.rel @p0 .LBB2_1-.Ltmp3, $4  }
0xad: {  	[hbm4b:s6+s4] =	stream.linear.scatter [tilespmem:s20], [sflag:$0x7], $0x200, $0x38;
	[tilespmem:$0x18800] =	vst v63  }
0xae: {  	_ =	swait.ge [sflag:s8], $0x200  }
0xaf: {  	[sflag:s8] =	ssyncset.done $0x0  }
0xb0: {  	[sflag:s8] =	ssyncadd.s32 $0xFFFFFE00  }
0xb1: {  	_ =	sfence.sel $0x180000  }
0xb2: {  	[bflag:$0x0] =	sbarrier.arrive $0xFFFF  }
0xb3: {  	_ =	strace $0x90000047  }
0xb4: {  	s0 =	stileid.u32;
	[bflag:$0x2] =	sbarrier.arrive $0xFFFF  }
0xb5: {  	p0 =	sne.s32 s0, $0x0;
	s0 =	rddreg [dreg:$0x4]  }
0xb6: {  	s0 =	sadd.s32 @!p0 $0x100000, s0  }
0xb7: {  	[sflag:s0] =	ssyncadd.tile.s32 @!p0 $0x1;
	_ =	shalt  }
.Lfunc_end2:
_tile_overlayer_lowered:
.L_overlay_start_2:
0xb8: {  	(tag) =	ssettag $0x2  }
0xb9: {  	s0 =	rddreg [dreg:$0x0];
	s2 =	stileid.u32  }
0xba: {  	s1 =	rddreg [dreg:$0x1];
	p0 =	sne.s32 s2, $0x0  }
0xbb: {  	s3 =	rddreg [dreg:$0x2];
	[bflag:$0x3] =	sbarrier.arrive $0xFFFF;
	s2 =	simm.s32 @!p0 $0x1C07  }
0xbc: {  	[timem:s3], [sflag:s2] =	dma.local @!p0 [hbm:s0], s1  }
0xbd: {  	s0 =	simm.s32 @!p0 $0x7  }
0xbe: {  	_ =	swait.ge @!p0 [sflag:s0], s1  }
0xbf: {  	s1 =	ssub.s32 @!p0 $0x0, s1;
	[sflag:s0] =	ssyncset.done @!p0 $0x0  }
0xc0: {  	[sflag:s0] =	ssyncadd.s32 @!p0 s1  }
0xc1: {  	[bflag:$0x3] =	sbarrier.arrive $0xFFFF  }
0xc2: {  	_ =	shalt  }

</sc_bundles>
